<compile_context>
chip_gen: v7x
topology: tpu7x:2x2x1
jax: 0.10.2.dev20260603
libtpu: 0.0.44.dev20260713+nightly
codegen_flags: <defaults>
</compile_context>

<pallas_src>
import functools

import jax
import jax.numpy as jnp
from jax import lax
from jax.experimental import pallas as pl
from jax.experimental.pallas import tpu as pltpu
from jax.experimental.pallas import tpu_sc as plsc

_NC = 2
_NS = 16
_NW = _NC * _NS
_K = 128
_D = 64
_V = 7
_NBL = 14
_SEQ = 35
_NBUF = 4


def _gather_body(spw, xt_hbm, table_hbm, out_hbm, xcols, idx_v, table_v,
                 *bufs_and_sems):
    nsub = spw // _K
    nchunks = _NBL * nsub
    rows = bufs_and_sems[:_NBUF]
    gsem = bufs_and_sems[_NBUF:2 * _NBUF]
    wsem = bufs_and_sems[2 * _NBUF:3 * _NBUF]
    ssem = bufs_and_sems[3 * _NBUF]
    wid = lax.axis_index("s") * _NC + lax.axis_index("c")
    samp0 = wid * spw
    pltpu.async_copy(table_hbm, table_v, ssem)
    pltpu.async_copy(xt_hbm.at[pl.ds(0, _SEQ), pl.ds(samp0, spw)],
                     xcols, ssem)
    pltpu.make_async_copy(table_hbm, table_v, ssem).wait()
    pltpu.make_async_copy(xt_hbm.at[pl.ds(0, _SEQ), pl.ds(0, spw)],
                          xcols, ssem).wait()

    v7 = jnp.full((16,), _V, jnp.int32)

    def compute_idx(c):
        j = c // nsub
        s = c % nsub
        col = (j >> 1) * 5 + 1 + 2 * (j & 1)
        for k2 in range(_K // 16):
            o = s * _K + k2 * 16
            xa = xcols[col, pl.ds(o, 16)]
            xb = xcols[col + 1, pl.ds(o, 16)]
            idx_v[j, s, pl.ds(k2 * 16, 16)] = xa * v7 + xb

    def gather_start(c, b):
        pltpu.async_copy(table_v.at[idx_v.at[c // nsub, c % nsub]],
                         rows[b], gsem[b])

    def gather_wait(b):
        pltpu.make_async_copy(table_v.at[idx_v.at[0, 0]], rows[b],
                              gsem[b]).wait()

    def write_start(c, b):
        pltpu.async_copy(
            rows[b],
            out_hbm.at[pl.ds(samp0 + (c % nsub) * _K, _K),
                       pl.ds((c // nsub) * _K, _K)],
            wsem[b])

    def write_wait(b):
        pltpu.make_async_copy(rows[b],
                              out_hbm.at[pl.ds(0, _K), pl.ds(0, _K)],
                              wsem[b]).wait()

    for c0 in range(_NBUF - 1):
        compute_idx(c0)
        gather_start(c0, c0)

    def step(cc, carry):
        for b in range(_NBUF):
            c = cc * _NBUF + b
            gather_wait(b)
            nxt = c + _NBUF - 1
            nb = (b + _NBUF - 1) % _NBUF

            @pl.when(nxt < nchunks)
            def _():
                compute_idx(nxt)

                @pl.when(c >= 1)
                def _():
                    write_wait(nb)

                gather_start(nxt, nb)

            write_start(c, b)
        return carry

    lax.fori_loop(0, nchunks // _NBUF, step, 0)
    for b in range(_NBUF):
        write_wait(b)


def kernel(X, color_table, pos_table):
    del pos_table
    batch, seq = X.shape
    nb = seq // 5
    pair_table = jnp.concatenate(
        [
            jnp.broadcast_to(color_table[:, None, :], (_V, _V, _D)),
            jnp.broadcast_to(color_table[None, :, :], (_V, _V, _D)),
        ],
        axis=-1,
    ).reshape(_V * _V, 2 * _D)

    spw = batch // _NW
    xt = jnp.transpose(X.astype(jnp.int32))

    body = functools.partial(_gather_body, spw)
    return pl.kernel(
        body,
        out_type=jax.ShapeDtypeStruct((batch, nb * 4 * _D), jnp.float32),
        mesh=plsc.VectorSubcoreMesh(core_axis_name="c", subcore_axis_name="s"),
        scratch_types=(
            [pltpu.VMEM((_SEQ, spw), jnp.int32),
             pltpu.VMEM((_NBL, spw // _K, _K), jnp.int32),
             pltpu.VMEM_SHARED((_V * _V, 2 * _D), jnp.float32)]
            + [pltpu.VMEM((_K, 2 * _D), jnp.float32)] * _NBUF
            + [pltpu.SemaphoreType.DMA] * (2 * _NBUF + 1)
        ),
    )(xt, pair_table)

# --- scband reference (transcript-rebuilt; emitter-appended) ---
"""Pipeline reference for scband-world-state-encoder-18665927868454 (READ-ONLY COPY).

The authoritative reference and input builder live on the scoring server;
editing this copy changes nothing except your own understanding.
"""

import jax, jax.numpy as jnp
import numpy as np

BATCH = 16384
SEQ = 35
COLOR_DIM = 64
POS_DIM = 64
VOCAB = 7


def setup_inputs(seed: int = 0) -> dict:
    key = jax.random.key(seed)
    k1, k2, k3 = jax.random.split(key, 3)
    X = jax.random.randint(k1, (BATCH, SEQ), 0, VOCAB)
    color_table = jax.random.normal(k2, (VOCAB, COLOR_DIM), dtype=jnp.float32) * 0.02
    pos_table = jax.random.normal(k3, (VOCAB, POS_DIM), dtype=jnp.float32) * 0.02
    return {"X": X, "color_table": color_table, "pos_table": pos_table}


def reference(X, color_table, pos_table):
    # Faithful vectorization of the original per-sample / per-beaker python loops.
    batch = X.shape[0]
    n_beakers = X.shape[1] // 5  # loop stride of 5 over X columns
    Xr = X.reshape(batch, n_beakers, 5)
    # X[i][j+1:j+5] -> 4 color ids per beaker
    color_ids = Xr[:, :, 1:5]
    emb = jnp.take(color_table, color_ids, axis=0)  # (B, n_beakers, 4, color_dim)
    # pos_embedding of beaker ids is computed in the original forward but never
    # used in the returned context; reproduce the computation for faithfulness.
    beaker_id = jnp.broadcast_to(jnp.arange(n_beakers), (batch, n_beakers))
    _pos = jnp.take(pos_table, beaker_id, axis=0)
    context = emb.reshape(batch, -1)  # (B, n_beakers*4*color_dim)
    return context

if __name__ == "__main__":
    import jax
    _d = setup_inputs()
    print(jax.jit(kernel)(*tuple(_d.values())))

</pallas_src>

<mosaic_0001>
#map = affine_map<(d0, d1) -> (0, 0)>
module attributes {stable_mosaic.version = 14 : i64} {
  func.func @_gather_body(%arg0: i32, %arg1: i32, %arg2: memref<35x16384xi32, #tpu.memory_space<hbm>>, %arg3: memref<49x128xf32, #tpu.memory_space<hbm>>, %arg4: memref<16384x1792xf32, #tpu.memory_space<hbm>>, %arg5: memref<35x512xi32, #tpu.memory_space<vmem>>, %arg6: memref<14x4x128xi32, #tpu.memory_space<vmem>>, %arg7: memref<49x128xf32, #tpu.memory_space<vmem_shared>>, %arg8: memref<128x128xf32, #tpu.memory_space<vmem>>, %arg9: memref<128x128xf32, #tpu.memory_space<vmem>>, %arg10: memref<128x128xf32, #tpu.memory_space<vmem>>, %arg11: memref<128x128xf32, #tpu.memory_space<vmem>>, %arg12: memref<!tpu.dma_semaphore, #tpu.memory_space<semaphore_mem>>, %arg13: memref<!tpu.dma_semaphore, #tpu.memory_space<semaphore_mem>>, %arg14: memref<!tpu.dma_semaphore, #tpu.memory_space<semaphore_mem>>, %arg15: memref<!tpu.dma_semaphore, #tpu.memory_space<semaphore_mem>>, %arg16: memref<!tpu.dma_semaphore, #tpu.memory_space<semaphore_mem>>, %arg17: memref<!tpu.dma_semaphore, #tpu.memory_space<semaphore_mem>>, %arg18: memref<!tpu.dma_semaphore, #tpu.memory_space<semaphore_mem>>, %arg19: memref<!tpu.dma_semaphore, #tpu.memory_space<semaphore_mem>>, %arg20: memref<!tpu.dma_semaphore, #tpu.memory_space<semaphore_mem>>) attributes {dimension_semantics = [#tpu.dimension_semantics<core_parallel>, #tpu.dimension_semantics<subcore_parallel>], iteration_bounds = array<i64: 2, 16>, scalar_prefetch = 0 : i64, scratch_operands = 16 : i64, tpu.core_type = #tpu.core_type<sc_vector_subcore>, window_params = [{transform_indices = #map}, {transform_indices = #map}, {transform_indices = #map}]} {
    %mul3A = arith.constant 2 : i32
    %mul3A_0 = arith.muli %arg1, %mul3A : i32
    %add3A = arith.addi %mul3A_0, %arg0 : i32
    %mul3A_1 = arith.constant 512 : i32
    %mul3A_2 = arith.muli %add3A, %mul3A_1 : i32
    tpu.enqueue_dma source(%arg3 : memref<49x128xf32, #tpu.memory_space<hbm>>) target(%arg7 : memref<49x128xf32, #tpu.memory_space<vmem_shared>>) target_semaphore(%arg20 : memref<!tpu.dma_semaphore, #tpu.memory_space<semaphore_mem>>)
    %dma_start3A = arith.constant 0 : i32
    %dma_start3A_3 = tpu.memref_slice %arg2[%dma_start3A, %mul3A_2] : memref<35x16384xi32, #tpu.memory_space<hbm>> -> memref<35x512xi32, #tpu.memory_space<hbm>>
    %dma_start3A_4 = arith.constant 0 : i32
    %dma_start3A_5 = tpu.memref_slice %arg2[%dma_start3A_4, %mul3A_2] : memref<35x16384xi32, #tpu.memory_space<hbm>> -> memref<35x512xi32, #tpu.memory_space<hbm>>
    tpu.enqueue_dma source(%dma_start3A_5 : memref<35x512xi32, #tpu.memory_space<hbm>>) target(%arg5 : memref<35x512xi32, #tpu.memory_space<vmem>>) target_semaphore(%arg20 : memref<!tpu.dma_semaphore, #tpu.memory_space<semaphore_mem>>)
    tpu.wait_dma2 semaphore(%arg20 : memref<!tpu.dma_semaphore, #tpu.memory_space<semaphore_mem>>) src(%arg3 : memref<49x128xf32, #tpu.memory_space<hbm>>) dst(%arg7 : memref<49x128xf32, #tpu.memory_space<vmem_shared>>)
    %dma_wait3A = arith.constant 0 : i32
    %dma_wait3A_6 = arith.constant 0 : i32
    %dma_wait3A_7 = tpu.memref_slice %arg2[%dma_wait3A, %dma_wait3A_6] : memref<35x16384xi32, #tpu.memory_space<hbm>> -> memref<35x512xi32, #tpu.memory_space<hbm>>
    %dma_wait3A_8 = arith.constant 0 : i32
    %dma_wait3A_9 = arith.constant 0 : i32
    %dma_wait3A_10 = tpu.memref_slice %arg2[%dma_wait3A_8, %dma_wait3A_9] : memref<35x16384xi32, #tpu.memory_space<hbm>> -> memref<35x512xi32, #tpu.memory_space<hbm>>
    tpu.wait_dma2 semaphore(%arg20 : memref<!tpu.dma_semaphore, #tpu.memory_space<semaphore_mem>>) src(%dma_wait3A_10 : memref<35x512xi32, #tpu.memory_space<hbm>>) dst(%arg5 : memref<35x512xi32, #tpu.memory_space<vmem>>)
    %broadcast_in_dim3A = arith.constant 7 : i32
    %broadcast_in_dim3A_11 = vector.broadcast %broadcast_in_dim3A : i32 to vector<16xi32>
    %get3A = arith.constant 1 : i32
    %get3A_12 = arith.index_cast %get3A : i32 to index
    %get3A_13 = arith.constant 0 : index
    %get3A_14 = tpu.vector_load %arg5[%get3A_12, %get3A_13] {strides = array<i32>} : memref<35x512xi32, #tpu.memory_space<vmem>>, vector<1x16xi32>,
    %get3A_15 = vector.shape_cast %get3A_14 : vector<1x16xi32> to vector<16xi32>
    %get3A_16 = arith.constant 2 : i32
    %get3A_17 = arith.index_cast %get3A_16 : i32 to index
    %get3A_18 = arith.constant 0 : index
    %get3A_19 = tpu.vector_load %arg5[%get3A_17, %get3A_18] {strides = array<i32>} : memref<35x512xi32, #tpu.memory_space<vmem>>, vector<1x16xi32>,
    %get3A_20 = vector.shape_cast %get3A_19 : vector<1x16xi32> to vector<16xi32>
    %mul3A_21 = arith.muli %get3A_15, %broadcast_in_dim3A_11 : vector<16xi32>
    %add3A_22 = arith.addi %mul3A_21, %get3A_20 : vector<16xi32>
    %swap3A = arith.constant 0 : i32
    %swap3A_23 = arith.constant 0 : i32
    %swap3A_24 = arith.index_cast %swap3A : i32 to index
    %swap3A_25 = arith.index_cast %swap3A_23 : i32 to index
    %swap3A_26 = arith.constant 0 : index
    %swap3A_27 = tpu.vector_load %arg6[%swap3A_24, %swap3A_25, %swap3A_26] {strides = array<i32>} : memref<14x4x128xi32, #tpu.memory_space<vmem>>, vector<1x1x16xi32>,
    %swap3A_28 = vector.shape_cast %swap3A_27 : vector<1x1x16xi32> to vector<16xi32>
    %swap3A_29 = vector.shape_cast %add3A_22 : vector<16xi32> to vector<1x1x16xi32>
    tpu.vector_store %arg6[%swap3A_24, %swap3A_25, %swap3A_26], %swap3A_29 {strides = array<i32>} : memref<14x4x128xi32, #tpu.memory_space<vmem>>, vector<1x1x16xi32>,
    %get3A_30 = arith.constant 1 : i32
    %get3A_31 = arith.index_cast %get3A_30 : i32 to index
    %get3A_32 = arith.constant 16 : index
    %get3A_33 = tpu.vector_load %arg5[%get3A_31, %get3A_32] {strides = array<i32>} : memref<35x512xi32, #tpu.memory_space<vmem>>, vector<1x16xi32>,
    %get3A_34 = vector.shape_cast %get3A_33 : vector<1x16xi32> to vector<16xi32>
    %get3A_35 = arith.constant 2 : i32
    %get3A_36 = arith.index_cast %get3A_35 : i32 to index
    %get3A_37 = arith.constant 16 : index
    %get3A_38 = tpu.vector_load %arg5[%get3A_36, %get3A_37] {strides = array<i32>} : memref<35x512xi32, #tpu.memory_space<vmem>>, vector<1x16xi32>,
    %get3A_39 = vector.shape_cast %get3A_38 : vector<1x16xi32> to vector<16xi32>
    %mul3A_40 = arith.muli %get3A_34, %broadcast_in_dim3A_11 : vector<16xi32>
    %add3A_41 = arith.addi %mul3A_40, %get3A_39 : vector<16xi32>
    %swap3A_42 = arith.constant 0 : i32
    %swap3A_43 = arith.constant 0 : i32
    %swap3A_44 = arith.index_cast %swap3A_42 : i32 to index
    %swap3A_45 = arith.index_cast %swap3A_43 : i32 to index
    %swap3A_46 = arith.constant 16 : index
    %swap3A_47 = tpu.vector_load %arg6[%swap3A_44, %swap3A_45, %swap3A_46] {strides = array<i32>} : memref<14x4x128xi32, #tpu.memory_space<vmem>>, vector<1x1x16xi32>,
    %swap3A_48 = vector.shape_cast %swap3A_47 : vector<1x1x16xi32> to vector<16xi32>
    %swap3A_49 = vector.shape_cast %add3A_41 : vector<16xi32> to vector<1x1x16xi32>
    tpu.vector_store %arg6[%swap3A_44, %swap3A_45, %swap3A_46], %swap3A_49 {strides = array<i32>} : memref<14x4x128xi32, #tpu.memory_space<vmem>>, vector<1x1x16xi32>,
    %get3A_50 = arith.constant 1 : i32
    %get3A_51 = arith.index_cast %get3A_50 : i32 to index
    %get3A_52 = arith.constant 32 : index
    %get3A_53 = tpu.vector_load %arg5[%get3A_51, %get3A_52] {strides = array<i32>} : memref<35x512xi32, #tpu.memory_space<vmem>>, vector<1x16xi32>,
    %get3A_54 = vector.shape_cast %get3A_53 : vector<1x16xi32> to vector<16xi32>
    %get3A_55 = arith.constant 2 : i32
    %get3A_56 = arith.index_cast %get3A_55 : i32 to index
    %get3A_57 = arith.constant 32 : index
    %get3A_58 = tpu.vector_load %arg5[%get3A_56, %get3A_57] {strides = array<i32>} : memref<35x512xi32, #tpu.memory_space<vmem>>, vector<1x16xi32>,
    %get3A_59 = vector.shape_cast %get3A_58 : vector<1x16xi32> to vector<16xi32>
    %mul3A_60 = arith.muli %get3A_54, %broadcast_in_dim3A_11 : vector<16xi32>
    %add3A_61 = arith.addi %mul3A_60, %get3A_59 : vector<16xi32>
    %swap3A_62 = arith.constant 0 : i32
    %swap3A_63 = arith.constant 0 : i32
    %swap3A_64 = arith.index_cast %swap3A_62 : i32 to index
    %swap3A_65 = arith.index_cast %swap3A_63 : i32 to index
    %swap3A_66 = arith.constant 32 : index
    %swap3A_67 = tpu.vector_load %arg6[%swap3A_64, %swap3A_65, %swap3A_66] {strides = array<i32>} : memref<14x4x128xi32, #tpu.memory_space<vmem>>, vector<1x1x16xi32>,
    %swap3A_68 = vector.shape_cast %swap3A_67 : vector<1x1x16xi32> to vector<16xi32>
    %swap3A_69 = vector.shape_cast %add3A_61 : vector<16xi32> to vector<1x1x16xi32>
    tpu.vector_store %arg6[%swap3A_64, %swap3A_65, %swap3A_66], %swap3A_69 {strides = array<i32>} : memref<14x4x128xi32, #tpu.memory_space<vmem>>, vector<1x1x16xi32>,
    %get3A_70 = arith.constant 1 : i32
    %get3A_71 = arith.index_cast %get3A_70 : i32 to index
    %get3A_72 = arith.constant 48 : index
    %get3A_73 = tpu.vector_load %arg5[%get3A_71, %get3A_72] {strides = array<i32>} : memref<35x512xi32, #tpu.memory_space<vmem>>, vector<1x16xi32>,
    %get3A_74 = vector.shape_cast %get3A_73 : vector<1x16xi32> to vector<16xi32>
    %get3A_75 = arith.constant 2 : i32
    %get3A_76 = arith.index_cast %get3A_75 : i32 to index
    %get3A_77 = arith.constant 48 : index
    %get3A_78 = tpu.vector_load %arg5[%get3A_76, %get3A_77] {strides = array<i32>} : memref<35x512xi32, #tpu.memory_space<vmem>>, vector<1x16xi32>,
    %get3A_79 = vector.shape_cast %get3A_78 : vector<1x16xi32> to vector<16xi32>
    %mul3A_80 = arith.muli %get3A_74, %broadcast_in_dim3A_11 : vector<16xi32>
    %add3A_81 = arith.addi %mul3A_80, %get3A_79 : vector<16xi32>
    %swap3A_82 = arith.constant 0 : i32
    %swap3A_83 = arith.constant 0 : i32
    %swap3A_84 = arith.index_cast %swap3A_82 : i32 to index
    %swap3A_85 = arith.index_cast %swap3A_83 : i32 to index
    %swap3A_86 = arith.constant 48 : index
    %swap3A_87 = tpu.vector_load %arg6[%swap3A_84, %swap3A_85, %swap3A_86] {strides = array<i32>} : memref<14x4x128xi32, #tpu.memory_space<vmem>>, vector<1x1x16xi32>,
    %swap3A_88 = vector.shape_cast %swap3A_87 : vector<1x1x16xi32> to vector<16xi32>
    %swap3A_89 = vector.shape_cast %add3A_81 : vector<16xi32> to vector<1x1x16xi32>
    tpu.vector_store %arg6[%swap3A_84, %swap3A_85, %swap3A_86], %swap3A_89 {strides = array<i32>} : memref<14x4x128xi32, #tpu.memory_space<vmem>>, vector<1x1x16xi32>,
    %get3A_90 = arith.constant 1 : i32
    %get3A_91 = arith.index_cast %get3A_90 : i32 to index
    %get3A_92 = arith.constant 64 : index
    %get3A_93 = tpu.vector_load %arg5[%get3A_91, %get3A_92] {strides = array<i32>} : memref<35x512xi32, #tpu.memory_space<vmem>>, vector<1x16xi32>,
    %get3A_94 = vector.shape_cast %get3A_93 : vector<1x16xi32> to vector<16xi32>
    %get3A_95 = arith.constant 2 : i32
    %get3A_96 = arith.index_cast %get3A_95 : i32 to index
    %get3A_97 = arith.constant 64 : index
    %get3A_98 = tpu.vector_load %arg5[%get3A_96, %get3A_97] {strides = array<i32>} : memref<35x512xi32, #tpu.memory_space<vmem>>, vector<1x16xi32>,
    %get3A_99 = vector.shape_cast %get3A_98 : vector<1x16xi32> to vector<16xi32>
    %mul3A_100 = arith.muli %get3A_94, %broadcast_in_dim3A_11 : vector<16xi32>
    %add3A_101 = arith.addi %mul3A_100, %get3A_99 : vector<16xi32>
    %swap3A_102 = arith.constant 0 : i32
    %swap3A_103 = arith.constant 0 : i32
    %swap3A_104 = arith.index_cast %swap3A_102 : i32 to index
    %swap3A_105 = arith.index_cast %swap3A_103 : i32 to index
    %swap3A_106 = arith.constant 64 : index
    %swap3A_107 = tpu.vector_load %arg6[%swap3A_104, %swap3A_105, %swap3A_106] {strides = array<i32>} : memref<14x4x128xi32, #tpu.memory_space<vmem>>, vector<1x1x16xi32>,
    %swap3A_108 = vector.shape_cast %swap3A_107 : vector<1x1x16xi32> to vector<16xi32>
    %swap3A_109 = vector.shape_cast %add3A_101 : vector<16xi32> to vector<1x1x16xi32>
    tpu.vector_store %arg6[%swap3A_104, %swap3A_105, %swap3A_106], %swap3A_109 {strides = array<i32>} : memref<14x4x128xi32, #tpu.memory_space<vmem>>, vector<1x1x16xi32>,
    %get3A_110 = arith.constant 1 : i32
    %get3A_111 = arith.index_cast %get3A_110 : i32 to index
    %get3A_112 = arith.constant 80 : index
    %get3A_113 = tpu.vector_load %arg5[%get3A_111, %get3A_112] {strides = array<i32>} : memref<35x512xi32, #tpu.memory_space<vmem>>, vector<1x16xi32>,
    %get3A_114 = vector.shape_cast %get3A_113 : vector<1x16xi32> to vector<16xi32>
    %get3A_115 = arith.constant 2 : i32
    %get3A_116 = arith.index_cast %get3A_115 : i32 to index
    %get3A_117 = arith.constant 80 : index
    %get3A_118 = tpu.vector_load %arg5[%get3A_116, %get3A_117] {strides = array<i32>} : memref<35x512xi32, #tpu.memory_space<vmem>>, vector<1x16xi32>,
    %get3A_119 = vector.shape_cast %get3A_118 : vector<1x16xi32> to vector<16xi32>
    %mul3A_120 = arith.muli %get3A_114, %broadcast_in_dim3A_11 : vector<16xi32>
    %add3A_121 = arith.addi %mul3A_120, %get3A_119 : vector<16xi32>
    %swap3A_122 = arith.constant 0 : i32
    %swap3A_123 = arith.constant 0 : i32
    %swap3A_124 = arith.index_cast %swap3A_122 : i32 to index
    %swap3A_125 = arith.index_cast %swap3A_123 : i32 to index
    %swap3A_126 = arith.constant 80 : index
    %swap3A_127 = tpu.vector_load %arg6[%swap3A_124, %swap3A_125, %swap3A_126] {strides = array<i32>} : memref<14x4x128xi32, #tpu.memory_space<vmem>>, vector<1x1x16xi32>,
    %swap3A_128 = vector.shape_cast %swap3A_127 : vector<1x1x16xi32> to vector<16xi32>
    %swap3A_129 = vector.shape_cast %add3A_121 : vector<16xi32> to vector<1x1x16xi32>
    tpu.vector_store %arg6[%swap3A_124, %swap3A_125, %swap3A_126], %swap3A_129 {strides = array<i32>} : memref<14x4x128xi32, #tpu.memory_space<vmem>>, vector<1x1x16xi32>,
    %get3A_130 = arith.constant 1 : i32
    %get3A_131 = arith.index_cast %get3A_130 : i32 to index
    %get3A_132 = arith.constant 96 : index
    %get3A_133 = tpu.vector_load %arg5[%get3A_131, %get3A_132] {strides = array<i32>} : memref<35x512xi32, #tpu.memory_space<vmem>>, vector<1x16xi32>,
    %get3A_134 = vector.shape_cast %get3A_133 : vector<1x16xi32> to vector<16xi32>
    %get3A_135 = arith.constant 2 : i32
    %get3A_136 = arith.index_cast %get3A_135 : i32 to index
    %get3A_137 = arith.constant 96 : index
    %get3A_138 = tpu.vector_load %arg5[%get3A_136, %get3A_137] {strides = array<i32>} : memref<35x512xi32, #tpu.memory_space<vmem>>, vector<1x16xi32>,
    %get3A_139 = vector.shape_cast %get3A_138 : vector<1x16xi32> to vector<16xi32>
    %mul3A_140 = arith.muli %get3A_134, %broadcast_in_dim3A_11 : vector<16xi32>
    %add3A_141 = arith.addi %mul3A_140, %get3A_139 : vector<16xi32>
    %swap3A_142 = arith.constant 0 : i32
    %swap3A_143 = arith.constant 0 : i32
    %swap3A_144 = arith.index_cast %swap3A_142 : i32 to index
    %swap3A_145 = arith.index_cast %swap3A_143 : i32 to index
    %swap3A_146 = arith.constant 96 : index
    %swap3A_147 = tpu.vector_load %arg6[%swap3A_144, %swap3A_145, %swap3A_146] {strides = array<i32>} : memref<14x4x128xi32, #tpu.memory_space<vmem>>, vector<1x1x16xi32>,
    %swap3A_148 = vector.shape_cast %swap3A_147 : vector<1x1x16xi32> to vector<16xi32>
    %swap3A_149 = vector.shape_cast %add3A_141 : vector<16xi32> to vector<1x1x16xi32>
    tpu.vector_store %arg6[%swap3A_144, %swap3A_145, %swap3A_146], %swap3A_149 {strides = array<i32>} : memref<14x4x128xi32, #tpu.memory_space<vmem>>, vector<1x1x16xi32>,
    %get3A_150 = arith.constant 1 : i32
    %get3A_151 = arith.index_cast %get3A_150 : i32 to index
    %get3A_152 = arith.constant 112 : index
    %get3A_153 = tpu.vector_load %arg5[%get3A_151, %get3A_152] {strides = array<i32>} : memref<35x512xi32, #tpu.memory_space<vmem>>, vector<1x16xi32>,
    %get3A_154 = vector.shape_cast %get3A_153 : vector<1x16xi32> to vector<16xi32>
    %get3A_155 = arith.constant 2 : i32
    %get3A_156 = arith.index_cast %get3A_155 : i32 to index
    %get3A_157 = arith.constant 112 : index
    %get3A_158 = tpu.vector_load %arg5[%get3A_156, %get3A_157] {strides = array<i32>} : memref<35x512xi32, #tpu.memory_space<vmem>>, vector<1x16xi32>,
    %get3A_159 = vector.shape_cast %get3A_158 : vector<1x16xi32> to vector<16xi32>
    %mul3A_160 = arith.muli %get3A_154, %broadcast_in_dim3A_11 : vector<16xi32>
    %add3A_161 = arith.addi %mul3A_160, %get3A_159 : vector<16xi32>
    %swap3A_162 = arith.constant 0 : i32
    %swap3A_163 = arith.constant 0 : i32
    %swap3A_164 = arith.index_cast %swap3A_162 : i32 to index
    %swap3A_165 = arith.index_cast %swap3A_163 : i32 to index
    %swap3A_166 = arith.constant 112 : index
    %swap3A_167 = tpu.vector_load %arg6[%swap3A_164, %swap3A_165, %swap3A_166] {strides = array<i32>} : memref<14x4x128xi32, #tpu.memory_space<vmem>>, vector<1x1x16xi32>,
    %swap3A_168 = vector.shape_cast %swap3A_167 : vector<1x1x16xi32> to vector<16xi32>
    %swap3A_169 = vector.shape_cast %add3A_161 : vector<16xi32> to vector<1x1x16xi32>
    tpu.vector_store %arg6[%swap3A_164, %swap3A_165, %swap3A_166], %swap3A_169 {strides = array<i32>} : memref<14x4x128xi32, #tpu.memory_space<vmem>>, vector<1x1x16xi32>,
    %dma_start3A_170 = arith.constant 0 : i32
    %dma_start3A_171 = arith.constant 0 : i32
    %dma_start3A_172 = arith.constant 0 : i32
    %dma_start3A_173 = tpu.memref_slice %arg6[%dma_start3A_170, %dma_start3A_171, %dma_start3A_172] : memref<14x4x128xi32, #tpu.memory_space<vmem>> -> memref<1x1x128xi32, #tpu.memory_space<vmem>>
    %dma_start3A_174 = tpu.memref_squeeze %dma_start3A_173 : memref<1x1x128xi32, #tpu.memory_space<vmem>> -> memref<128xi32, #tpu.memory_space<vmem>>
    %dma_start3A_175 = arith.constant 0 : i32
    %dma_start3A_176 = arith.constant 0 : i32
    %dma_start3A_177 = tpu.memref_slice %arg7[%dma_start3A_175, %dma_start3A_176] : memref<49x128xf32, #tpu.memory_space<vmem_shared>> -> memref<49x128xf32, #tpu.memory_space<vmem_shared>>
    tpu.enqueue_indirect_dma source(%dma_start3A_177 : memref<49x128xf32, #tpu.memory_space<vmem_shared>>) target(%arg8 : memref<128x128xf32, #tpu.memory_space<vmem>>) offsets(%dma_start3A_174 : memref<128xi32, #tpu.memory_space<vmem>>) semaphore(%arg12 : memref<!tpu.dma_semaphore, #tpu.memory_space<semaphore_mem>>)
    %get3A_178 = arith.constant 1 : i32
    %get3A_179 = arith.index_cast %get3A_178 : i32 to index
    %get3A_180 = arith.constant 128 : index
    %get3A_181 = tpu.vector_load %arg5[%get3A_179, %get3A_180] {strides = array<i32>} : memref<35x512xi32, #tpu.memory_space<vmem>>, vector<1x16xi32>,
    %get3A_182 = vector.shape_cast %get3A_181 : vector<1x16xi32> to vector<16xi32>
    %get3A_183 = arith.constant 2 : i32
    %get3A_184 = arith.index_cast %get3A_183 : i32 to index
    %get3A_185 = arith.constant 128 : index
    %get3A_186 = tpu.vector_load %arg5[%get3A_184, %get3A_185] {strides = array<i32>} : memref<35x512xi32, #tpu.memory_space<vmem>>, vector<1x16xi32>,
    %get3A_187 = vector.shape_cast %get3A_186 : vector<1x16xi32> to vector<16xi32>
    %mul3A_188 = arith.muli %get3A_182, %broadcast_in_dim3A_11 : vector<16xi32>
    %add3A_189 = arith.addi %mul3A_188, %get3A_187 : vector<16xi32>
    %swap3A_190 = arith.constant 0 : i32
    %swap3A_191 = arith.constant 1 : i32
    %swap3A_192 = arith.index_cast %swap3A_190 : i32 to index
    %swap3A_193 = arith.index_cast %swap3A_191 : i32 to index
    %swap3A_194 = arith.constant 0 : index
    %swap3A_195 = tpu.vector_load %arg6[%swap3A_192, %swap3A_193, %swap3A_194] {strides = array<i32>} : memref<14x4x128xi32, #tpu.memory_space<vmem>>, vector<1x1x16xi32>,
    %swap3A_196 = vector.shape_cast %swap3A_195 : vector<1x1x16xi32> to vector<16xi32>
    %swap3A_197 = vector.shape_cast %add3A_189 : vector<16xi32> to vector<1x1x16xi32>
    tpu.vector_store %arg6[%swap3A_192, %swap3A_193, %swap3A_194], %swap3A_197 {strides = array<i32>} : memref<14x4x128xi32, #tpu.memory_space<vmem>>, vector<1x1x16xi32>,
    %get3A_198 = arith.constant 1 : i32
    %get3A_199 = arith.index_cast %get3A_198 : i32 to index
    %get3A_200 = arith.constant 144 : index
    %get3A_201 = tpu.vector_load %arg5[%get3A_199, %get3A_200] {strides = array<i32>} : memref<35x512xi32, #tpu.memory_space<vmem>>, vector<1x16xi32>,
    %get3A_202 = vector.shape_cast %get3A_201 : vector<1x16xi32> to vector<16xi32>
    %get3A_203 = arith.constant 2 : i32
    %get3A_204 = arith.index_cast %get3A_203 : i32 to index
    %get3A_205 = arith.constant 144 : index
    %get3A_206 = tpu.vector_load %arg5[%get3A_204, %get3A_205] {strides = array<i32>} : memref<35x512xi32, #tpu.memory_space<vmem>>, vector<1x16xi32>,
    %get3A_207 = vector.shape_cast %get3A_206 : vector<1x16xi32> to vector<16xi32>
    %mul3A_208 = arith.muli %get3A_202, %broadcast_in_dim3A_11 : vector<16xi32>
    %add3A_209 = arith.addi %mul3A_208, %get3A_207 : vector<16xi32>
    %swap3A_210 = arith.constant 0 : i32
    %swap3A_211 = arith.constant 1 : i32
    %swap3A_212 = arith.index_cast %swap3A_210 : i32 to index
    %swap3A_213 = arith.index_cast %swap3A_211 : i32 to index
    %swap3A_214 = arith.constant 16 : index
    %swap3A_215 = tpu.vector_load %arg6[%swap3A_212, %swap3A_213, %swap3A_214] {strides = array<i32>} : memref<14x4x128xi32, #tpu.memory_space<vmem>>, vector<1x1x16xi32>,
    %swap3A_216 = vector.shape_cast %swap3A_215 : vector<1x1x16xi32> to vector<16xi32>
    %swap3A_217 = vector.shape_cast %add3A_209 : vector<16xi32> to vector<1x1x16xi32>
    tpu.vector_store %arg6[%swap3A_212, %swap3A_213, %swap3A_214], %swap3A_217 {strides = array<i32>} : memref<14x4x128xi32, #tpu.memory_space<vmem>>, vector<1x1x16xi32>,
    %get3A_218 = arith.constant 1 : i32
    %get3A_219 = arith.index_cast %get3A_218 : i32 to index
    %get3A_220 = arith.constant 160 : index
    %get3A_221 = tpu.vector_load %arg5[%get3A_219, %get3A_220] {strides = array<i32>} : memref<35x512xi32, #tpu.memory_space<vmem>>, vector<1x16xi32>,
    %get3A_222 = vector.shape_cast %get3A_221 : vector<1x16xi32> to vector<16xi32>
    %get3A_223 = arith.constant 2 : i32
    %get3A_224 = arith.index_cast %get3A_223 : i32 to index
    %get3A_225 = arith.constant 160 : index
    %get3A_226 = tpu.vector_load %arg5[%get3A_224, %get3A_225] {strides = array<i32>} : memref<35x512xi32, #tpu.memory_space<vmem>>, vector<1x16xi32>,
    %get3A_227 = vector.shape_cast %get3A_226 : vector<1x16xi32> to vector<16xi32>
    %mul3A_228 = arith.muli %get3A_222, %broadcast_in_dim3A_11 : vector<16xi32>
    %add3A_229 = arith.addi %mul3A_228, %get3A_227 : vector<16xi32>
    %swap3A_230 = arith.constant 0 : i32
    %swap3A_231 = arith.constant 1 : i32
    %swap3A_232 = arith.index_cast %swap3A_230 : i32 to index
    %swap3A_233 = arith.index_cast %swap3A_231 : i32 to index
    %swap3A_234 = arith.constant 32 : index
    %swap3A_235 = tpu.vector_load %arg6[%swap3A_232, %swap3A_233, %swap3A_234] {strides = array<i32>} : memref<14x4x128xi32, #tpu.memory_space<vmem>>, vector<1x1x16xi32>,
    %swap3A_236 = vector.shape_cast %swap3A_235 : vector<1x1x16xi32> to vector<16xi32>
    %swap3A_237 = vector.shape_cast %add3A_229 : vector<16xi32> to vector<1x1x16xi32>
    tpu.vector_store %arg6[%swap3A_232, %swap3A_233, %swap3A_234], %swap3A_237 {strides = array<i32>} : memref<14x4x128xi32, #tpu.memory_space<vmem>>, vector<1x1x16xi32>,
    %get3A_238 = arith.constant 1 : i32
    %get3A_239 = arith.index_cast %get3A_238 : i32 to index
    %get3A_240 = arith.constant 176 : index
    %get3A_241 = tpu.vector_load %arg5[%get3A_239, %get3A_240] {strides = array<i32>} : memref<35x512xi32, #tpu.memory_space<vmem>>, vector<1x16xi32>,
    %get3A_242 = vector.shape_cast %get3A_241 : vector<1x16xi32> to vector<16xi32>
    %get3A_243 = arith.constant 2 : i32
    %get3A_244 = arith.index_cast %get3A_243 : i32 to index
    %get3A_245 = arith.constant 176 : index
    %get3A_246 = tpu.vector_load %arg5[%get3A_244, %get3A_245] {strides = array<i32>} : memref<35x512xi32, #tpu.memory_space<vmem>>, vector<1x16xi32>,
    %get3A_247 = vector.shape_cast %get3A_246 : vector<1x16xi32> to vector<16xi32>
    %mul3A_248 = arith.muli %get3A_242, %broadcast_in_dim3A_11 : vector<16xi32>
    %add3A_249 = arith.addi %mul3A_248, %get3A_247 : vector<16xi32>
    %swap3A_250 = arith.constant 0 : i32
    %swap3A_251 = arith.constant 1 : i32
    %swap3A_252 = arith.index_cast %swap3A_250 : i32 to index
    %swap3A_253 = arith.index_cast %swap3A_251 : i32 to index
    %swap3A_254 = arith.constant 48 : index
    %swap3A_255 = tpu.vector_load %arg6[%swap3A_252, %swap3A_253, %swap3A_254] {strides = array<i32>} : memref<14x4x128xi32, #tpu.memory_space<vmem>>, vector<1x1x16xi32>,
    %swap3A_256 = vector.shape_cast %swap3A_255 : vector<1x1x16xi32> to vector<16xi32>
    %swap3A_257 = vector.shape_cast %add3A_249 : vector<16xi32> to vector<1x1x16xi32>
    tpu.vector_store %arg6[%swap3A_252, %swap3A_253, %swap3A_254], %swap3A_257 {strides = array<i32>} : memref<14x4x128xi32, #tpu.memory_space<vmem>>, vector<1x1x16xi32>,
    %get3A_258 = arith.constant 1 : i32
    %get3A_259 = arith.index_cast %get3A_258 : i32 to index
    %get3A_260 = arith.constant 192 : index
    %get3A_261 = tpu.vector_load %arg5[%get3A_259, %get3A_260] {strides = array<i32>} : memref<35x512xi32, #tpu.memory_space<vmem>>, vector<1x16xi32>,
    %get3A_262 = vector.shape_cast %get3A_261 : vector<1x16xi32> to vector<16xi32>
    %get3A_263 = arith.constant 2 : i32
    %get3A_264 = arith.index_cast %get3A_263 : i32 to index
    %get3A_265 = arith.constant 192 : index
    %get3A_266 = tpu.vector_load %arg5[%get3A_264, %get3A_265] {strides = array<i32>} : memref<35x512xi32, #tpu.memory_space<vmem>>, vector<1x16xi32>,
    %get3A_267 = vector.shape_cast %get3A_266 : vector<1x16xi32> to vector<16xi32>
    %mul3A_268 = arith.muli %get3A_262, %broadcast_in_dim3A_11 : vector<16xi32>
    %add3A_269 = arith.addi %mul3A_268, %get3A_267 : vector<16xi32>
    %swap3A_270 = arith.constant 0 : i32
    %swap3A_271 = arith.constant 1 : i32
    %swap3A_272 = arith.index_cast %swap3A_270 : i32 to index
    %swap3A_273 = arith.index_cast %swap3A_271 : i32 to index
    %swap3A_274 = arith.constant 64 : index
    %swap3A_275 = tpu.vector_load %arg6[%swap3A_272, %swap3A_273, %swap3A_274] {strides = array<i32>} : memref<14x4x128xi32, #tpu.memory_space<vmem>>, vector<1x1x16xi32>,
    %swap3A_276 = vector.shape_cast %swap3A_275 : vector<1x1x16xi32> to vector<16xi32>
    %swap3A_277 = vector.shape_cast %add3A_269 : vector<16xi32> to vector<1x1x16xi32>
    tpu.vector_store %arg6[%swap3A_272, %swap3A_273, %swap3A_274], %swap3A_277 {strides = array<i32>} : memref<14x4x128xi32, #tpu.memory_space<vmem>>, vector<1x1x16xi32>,
    %get3A_278 = arith.constant 1 : i32
    %get3A_279 = arith.index_cast %get3A_278 : i32 to index
    %get3A_280 = arith.constant 208 : index
    %get3A_281 = tpu.vector_load %arg5[%get3A_279, %get3A_280] {strides = array<i32>} : memref<35x512xi32, #tpu.memory_space<vmem>>, vector<1x16xi32>,
    %get3A_282 = vector.shape_cast %get3A_281 : vector<1x16xi32> to vector<16xi32>
    %get3A_283 = arith.constant 2 : i32
    %get3A_284 = arith.index_cast %get3A_283 : i32 to index
    %get3A_285 = arith.constant 208 : index
    %get3A_286 = tpu.vector_load %arg5[%get3A_284, %get3A_285] {strides = array<i32>} : memref<35x512xi32, #tpu.memory_space<vmem>>, vector<1x16xi32>,
    %get3A_287 = vector.shape_cast %get3A_286 : vector<1x16xi32> to vector<16xi32>
    %mul3A_288 = arith.muli %get3A_282, %broadcast_in_dim3A_11 : vector<16xi32>
    %add3A_289 = arith.addi %mul3A_288, %get3A_287 : vector<16xi32>
    %swap3A_290 = arith.constant 0 : i32
    %swap3A_291 = arith.constant 1 : i32
    %swap3A_292 = arith.index_cast %swap3A_290 : i32 to index
    %swap3A_293 = arith.index_cast %swap3A_291 : i32 to index
    %swap3A_294 = arith.constant 80 : index
    %swap3A_295 = tpu.vector_load %arg6[%swap3A_292, %swap3A_293, %swap3A_294] {strides = array<i32>} : memref<14x4x128xi32, #tpu.memory_space<vmem>>, vector<1x1x16xi32>,
    %swap3A_296 = vector.shape_cast %swap3A_295 : vector<1x1x16xi32> to vector<16xi32>
    %swap3A_297 = vector.shape_cast %add3A_289 : vector<16xi32> to vector<1x1x16xi32>
    tpu.vector_store %arg6[%swap3A_292, %swap3A_293, %swap3A_294], %swap3A_297 {strides = array<i32>} : memref<14x4x128xi32, #tpu.memory_space<vmem>>, vector<1x1x16xi32>,
    %get3A_298 = arith.constant 1 : i32
    %get3A_299 = arith.index_cast %get3A_298 : i32 to index
    %get3A_300 = arith.constant 224 : index
    %get3A_301 = tpu.vector_load %arg5[%get3A_299, %get3A_300] {strides = array<i32>} : memref<35x512xi32, #tpu.memory_space<vmem>>, vector<1x16xi32>,
    %get3A_302 = vector.shape_cast %get3A_301 : vector<1x16xi32> to vector<16xi32>
    %get3A_303 = arith.constant 2 : i32
    %get3A_304 = arith.index_cast %get3A_303 : i32 to index
    %get3A_305 = arith.constant 224 : index
    %get3A_306 = tpu.vector_load %arg5[%get3A_304, %get3A_305] {strides = array<i32>} : memref<35x512xi32, #tpu.memory_space<vmem>>, vector<1x16xi32>,
    %get3A_307 = vector.shape_cast %get3A_306 : vector<1x16xi32> to vector<16xi32>
    %mul3A_308 = arith.muli %get3A_302, %broadcast_in_dim3A_11 : vector<16xi32>
    %add3A_309 = arith.addi %mul3A_308, %get3A_307 : vector<16xi32>
    %swap3A_310 = arith.constant 0 : i32
    %swap3A_311 = arith.constant 1 : i32
    %swap3A_312 = arith.index_cast %swap3A_310 : i32 to index
    %swap3A_313 = arith.index_cast %swap3A_311 : i32 to index
    %swap3A_314 = arith.constant 96 : index
    %swap3A_315 = tpu.vector_load %arg6[%swap3A_312, %swap3A_313, %swap3A_314] {strides = array<i32>} : memref<14x4x128xi32, #tpu.memory_space<vmem>>, vector<1x1x16xi32>,
    %swap3A_316 = vector.shape_cast %swap3A_315 : vector<1x1x16xi32> to vector<16xi32>
    %swap3A_317 = vector.shape_cast %add3A_309 : vector<16xi32> to vector<1x1x16xi32>
    tpu.vector_store %arg6[%swap3A_312, %swap3A_313, %swap3A_314], %swap3A_317 {strides = array<i32>} : memref<14x4x128xi32, #tpu.memory_space<vmem>>, vector<1x1x16xi32>,
    %get3A_318 = arith.constant 1 : i32
    %get3A_319 = arith.index_cast %get3A_318 : i32 to index
    %get3A_320 = arith.constant 240 : index
    %get3A_321 = tpu.vector_load %arg5[%get3A_319, %get3A_320] {strides = array<i32>} : memref<35x512xi32, #tpu.memory_space<vmem>>, vector<1x16xi32>,
    %get3A_322 = vector.shape_cast %get3A_321 : vector<1x16xi32> to vector<16xi32>
    %get3A_323 = arith.constant 2 : i32
    %get3A_324 = arith.index_cast %get3A_323 : i32 to index
    %get3A_325 = arith.constant 240 : index
    %get3A_326 = tpu.vector_load %arg5[%get3A_324, %get3A_325] {strides = array<i32>} : memref<35x512xi32, #tpu.memory_space<vmem>>, vector<1x16xi32>,
    %get3A_327 = vector.shape_cast %get3A_326 : vector<1x16xi32> to vector<16xi32>
    %mul3A_328 = arith.muli %get3A_322, %broadcast_in_dim3A_11 : vector<16xi32>
    %add3A_329 = arith.addi %mul3A_328, %get3A_327 : vector<16xi32>
    %swap3A_330 = arith.constant 0 : i32
    %swap3A_331 = arith.constant 1 : i32
    %swap3A_332 = arith.index_cast %swap3A_330 : i32 to index
    %swap3A_333 = arith.index_cast %swap3A_331 : i32 to index
    %swap3A_334 = arith.constant 112 : index
    %swap3A_335 = tpu.vector_load %arg6[%swap3A_332, %swap3A_333, %swap3A_334] {strides = array<i32>} : memref<14x4x128xi32, #tpu.memory_space<vmem>>, vector<1x1x16xi32>,
    %swap3A_336 = vector.shape_cast %swap3A_335 : vector<1x1x16xi32> to vector<16xi32>
    %swap3A_337 = vector.shape_cast %add3A_329 : vector<16xi32> to vector<1x1x16xi32>
    tpu.vector_store %arg6[%swap3A_332, %swap3A_333, %swap3A_334], %swap3A_337 {strides = array<i32>} : memref<14x4x128xi32, #tpu.memory_space<vmem>>, vector<1x1x16xi32>,
    %dma_start3A_338 = arith.constant 0 : i32
    %dma_start3A_339 = arith.constant 1 : i32
    %dma_start3A_340 = arith.constant 0 : i32
    %dma_start3A_341 = tpu.memref_slice %arg6[%dma_start3A_338, %dma_start3A_339, %dma_start3A_340] : memref<14x4x128xi32, #tpu.memory_space<vmem>> -> memref<1x1x128xi32, #tpu.memory_space<vmem>>
    %dma_start3A_342 = tpu.memref_squeeze %dma_start3A_341 : memref<1x1x128xi32, #tpu.memory_space<vmem>> -> memref<128xi32, #tpu.memory_space<vmem>>
    %dma_start3A_343 = arith.constant 0 : i32
    %dma_start3A_344 = arith.constant 0 : i32
    %dma_start3A_345 = tpu.memref_slice %arg7[%dma_start3A_343, %dma_start3A_344] : memref<49x128xf32, #tpu.memory_space<vmem_shared>> -> memref<49x128xf32, #tpu.memory_space<vmem_shared>>
    tpu.enqueue_indirect_dma source(%dma_start3A_345 : memref<49x128xf32, #tpu.memory_space<vmem_shared>>) target(%arg9 : memref<128x128xf32, #tpu.memory_space<vmem>>) offsets(%dma_start3A_342 : memref<128xi32, #tpu.memory_space<vmem>>) semaphore(%arg13 : memref<!tpu.dma_semaphore, #tpu.memory_space<semaphore_mem>>)
    %get3A_346 = arith.constant 1 : i32
    %get3A_347 = arith.index_cast %get3A_346 : i32 to index
    %get3A_348 = arith.constant 256 : index
    %get3A_349 = tpu.vector_load %arg5[%get3A_347, %get3A_348] {strides = array<i32>} : memref<35x512xi32, #tpu.memory_space<vmem>>, vector<1x16xi32>,
    %get3A_350 = vector.shape_cast %get3A_349 : vector<1x16xi32> to vector<16xi32>
    %get3A_351 = arith.constant 2 : i32
    %get3A_352 = arith.index_cast %get3A_351 : i32 to index
    %get3A_353 = arith.constant 256 : index
    %get3A_354 = tpu.vector_load %arg5[%get3A_352, %get3A_353] {strides = array<i32>} : memref<35x512xi32, #tpu.memory_space<vmem>>, vector<1x16xi32>,
    %get3A_355 = vector.shape_cast %get3A_354 : vector<1x16xi32> to vector<16xi32>
    %mul3A_356 = arith.muli %get3A_350, %broadcast_in_dim3A_11 : vector<16xi32>
    %add3A_357 = arith.addi %mul3A_356, %get3A_355 : vector<16xi32>
    %swap3A_358 = arith.constant 0 : i32
    %swap3A_359 = arith.constant 2 : i32
    %swap3A_360 = arith.index_cast %swap3A_358 : i32 to index
    %swap3A_361 = arith.index_cast %swap3A_359 : i32 to index
    %swap3A_362 = arith.constant 0 : index
    %swap3A_363 = tpu.vector_load %arg6[%swap3A_360, %swap3A_361, %swap3A_362] {strides = array<i32>} : memref<14x4x128xi32, #tpu.memory_space<vmem>>, vector<1x1x16xi32>,
    %swap3A_364 = vector.shape_cast %swap3A_363 : vector<1x1x16xi32> to vector<16xi32>
    %swap3A_365 = vector.shape_cast %add3A_357 : vector<16xi32> to vector<1x1x16xi32>
    tpu.vector_store %arg6[%swap3A_360, %swap3A_361, %swap3A_362], %swap3A_365 {strides = array<i32>} : memref<14x4x128xi32, #tpu.memory_space<vmem>>, vector<1x1x16xi32>,
    %get3A_366 = arith.constant 1 : i32
    %get3A_367 = arith.index_cast %get3A_366 : i32 to index
    %get3A_368 = arith.constant 272 : index
    %get3A_369 = tpu.vector_load %arg5[%get3A_367, %get3A_368] {strides = array<i32>} : memref<35x512xi32, #tpu.memory_space<vmem>>, vector<1x16xi32>,
    %get3A_370 = vector.shape_cast %get3A_369 : vector<1x16xi32> to vector<16xi32>
    %get3A_371 = arith.constant 2 : i32
    %get3A_372 = arith.index_cast %get3A_371 : i32 to index
    %get3A_373 = arith.constant 272 : index
    %get3A_374 = tpu.vector_load %arg5[%get3A_372, %get3A_373] {strides = array<i32>} : memref<35x512xi32, #tpu.memory_space<vmem>>, vector<1x16xi32>,
    %get3A_375 = vector.shape_cast %get3A_374 : vector<1x16xi32> to vector<16xi32>
    %mul3A_376 = arith.muli %get3A_370, %broadcast_in_dim3A_11 : vector<16xi32>
    %add3A_377 = arith.addi %mul3A_376, %get3A_375 : vector<16xi32>
    %swap3A_378 = arith.constant 0 : i32
    %swap3A_379 = arith.constant 2 : i32
    %swap3A_380 = arith.index_cast %swap3A_378 : i32 to index
    %swap3A_381 = arith.index_cast %swap3A_379 : i32 to index
    %swap3A_382 = arith.constant 16 : index
    %swap3A_383 = tpu.vector_load %arg6[%swap3A_380, %swap3A_381, %swap3A_382] {strides = array<i32>} : memref<14x4x128xi32, #tpu.memory_space<vmem>>, vector<1x1x16xi32>,
    %swap3A_384 = vector.shape_cast %swap3A_383 : vector<1x1x16xi32> to vector<16xi32>
    %swap3A_385 = vector.shape_cast %add3A_377 : vector<16xi32> to vector<1x1x16xi32>
    tpu.vector_store %arg6[%swap3A_380, %swap3A_381, %swap3A_382], %swap3A_385 {strides = array<i32>} : memref<14x4x128xi32, #tpu.memory_space<vmem>>, vector<1x1x16xi32>,
    %get3A_386 = arith.constant 1 : i32
    %get3A_387 = arith.index_cast %get3A_386 : i32 to index
    %get3A_388 = arith.constant 288 : index
    %get3A_389 = tpu.vector_load %arg5[%get3A_387, %get3A_388] {strides = array<i32>} : memref<35x512xi32, #tpu.memory_space<vmem>>, vector<1x16xi32>,
    %get3A_390 = vector.shape_cast %get3A_389 : vector<1x16xi32> to vector<16xi32>
    %get3A_391 = arith.constant 2 : i32
    %get3A_392 = arith.index_cast %get3A_391 : i32 to index
    %get3A_393 = arith.constant 288 : index
    %get3A_394 = tpu.vector_load %arg5[%get3A_392, %get3A_393] {strides = array<i32>} : memref<35x512xi32, #tpu.memory_space<vmem>>, vector<1x16xi32>,
    %get3A_395 = vector.shape_cast %get3A_394 : vector<1x16xi32> to vector<16xi32>
    %mul3A_396 = arith.muli %get3A_390, %broadcast_in_dim3A_11 : vector<16xi32>
    %add3A_397 = arith.addi %mul3A_396, %get3A_395 : vector<16xi32>
    %swap3A_398 = arith.constant 0 : i32
    %swap3A_399 = arith.constant 2 : i32
    %swap3A_400 = arith.index_cast %swap3A_398 : i32 to index
    %swap3A_401 = arith.index_cast %swap3A_399 : i32 to index
    %swap3A_402 = arith.constant 32 : index
    %swap3A_403 = tpu.vector_load %arg6[%swap3A_400, %swap3A_401, %swap3A_402] {strides = array<i32>} : memref<14x4x128xi32, #tpu.memory_space<vmem>>, vector<1x1x16xi32>,
    %swap3A_404 = vector.shape_cast %swap3A_403 : vector<1x1x16xi32> to vector<16xi32>
    %swap3A_405 = vector.shape_cast %add3A_397 : vector<16xi32> to vector<1x1x16xi32>
    tpu.vector_store %arg6[%swap3A_400, %swap3A_401, %swap3A_402], %swap3A_405 {strides = array<i32>} : memref<14x4x128xi32, #tpu.memory_space<vmem>>, vector<1x1x16xi32>,
    %get3A_406 = arith.constant 1 : i32
    %get3A_407 = arith.index_cast %get3A_406 : i32 to index
    %get3A_408 = arith.constant 304 : index
    %get3A_409 = tpu.vector_load %arg5[%get3A_407, %get3A_408] {strides = array<i32>} : memref<35x512xi32, #tpu.memory_space<vmem>>, vector<1x16xi32>,
    %get3A_410 = vector.shape_cast %get3A_409 : vector<1x16xi32> to vector<16xi32>
    %get3A_411 = arith.constant 2 : i32
    %get3A_412 = arith.index_cast %get3A_411 : i32 to index
    %get3A_413 = arith.constant 304 : index
    %get3A_414 = tpu.vector_load %arg5[%get3A_412, %get3A_413] {strides = array<i32>} : memref<35x512xi32, #tpu.memory_space<vmem>>, vector<1x16xi32>,
    %get3A_415 = vector.shape_cast %get3A_414 : vector<1x16xi32> to vector<16xi32>
    %mul3A_416 = arith.muli %get3A_410, %broadcast_in_dim3A_11 : vector<16xi32>
    %add3A_417 = arith.addi %mul3A_416, %get3A_415 : vector<16xi32>
    %swap3A_418 = arith.constant 0 : i32
    %swap3A_419 = arith.constant 2 : i32
    %swap3A_420 = arith.index_cast %swap3A_418 : i32 to index
    %swap3A_421 = arith.index_cast %swap3A_419 : i32 to index
    %swap3A_422 = arith.constant 48 : index
    %swap3A_423 = tpu.vector_load %arg6[%swap3A_420, %swap3A_421, %swap3A_422] {strides = array<i32>} : memref<14x4x128xi32, #tpu.memory_space<vmem>>, vector<1x1x16xi32>,
    %swap3A_424 = vector.shape_cast %swap3A_423 : vector<1x1x16xi32> to vector<16xi32>
    %swap3A_425 = vector.shape_cast %add3A_417 : vector<16xi32> to vector<1x1x16xi32>
    tpu.vector_store %arg6[%swap3A_420, %swap3A_421, %swap3A_422], %swap3A_425 {strides = array<i32>} : memref<14x4x128xi32, #tpu.memory_space<vmem>>, vector<1x1x16xi32>,
    %get3A_426 = arith.constant 1 : i32
    %get3A_427 = arith.index_cast %get3A_426 : i32 to index
    %get3A_428 = arith.constant 320 : index
    %get3A_429 = tpu.vector_load %arg5[%get3A_427, %get3A_428] {strides = array<i32>} : memref<35x512xi32, #tpu.memory_space<vmem>>, vector<1x16xi32>,
    %get3A_430 = vector.shape_cast %get3A_429 : vector<1x16xi32> to vector<16xi32>
    %get3A_431 = arith.constant 2 : i32
    %get3A_432 = arith.index_cast %get3A_431 : i32 to index
    %get3A_433 = arith.constant 320 : index
    %get3A_434 = tpu.vector_load %arg5[%get3A_432, %get3A_433] {strides = array<i32>} : memref<35x512xi32, #tpu.memory_space<vmem>>, vector<1x16xi32>,
    %get3A_435 = vector.shape_cast %get3A_434 : vector<1x16xi32> to vector<16xi32>
    %mul3A_436 = arith.muli %get3A_430, %broadcast_in_dim3A_11 : vector<16xi32>
    %add3A_437 = arith.addi %mul3A_436, %get3A_435 : vector<16xi32>
    %swap3A_438 = arith.constant 0 : i32
    %swap3A_439 = arith.constant 2 : i32
    %swap3A_440 = arith.index_cast %swap3A_438 : i32 to index
    %swap3A_441 = arith.index_cast %swap3A_439 : i32 to index
    %swap3A_442 = arith.constant 64 : index
    %swap3A_443 = tpu.vector_load %arg6[%swap3A_440, %swap3A_441, %swap3A_442] {strides = array<i32>} : memref<14x4x128xi32, #tpu.memory_space<vmem>>, vector<1x1x16xi32>,
    %swap3A_444 = vector.shape_cast %swap3A_443 : vector<1x1x16xi32> to vector<16xi32>
    %swap3A_445 = vector.shape_cast %add3A_437 : vector<16xi32> to vector<1x1x16xi32>
    tpu.vector_store %arg6[%swap3A_440, %swap3A_441, %swap3A_442], %swap3A_445 {strides = array<i32>} : memref<14x4x128xi32, #tpu.memory_space<vmem>>, vector<1x1x16xi32>,
    %get3A_446 = arith.constant 1 : i32
    %get3A_447 = arith.index_cast %get3A_446 : i32 to index
    %get3A_448 = arith.constant 336 : index
    %get3A_449 = tpu.vector_load %arg5[%get3A_447, %get3A_448] {strides = array<i32>} : memref<35x512xi32, #tpu.memory_space<vmem>>, vector<1x16xi32>,
    %get3A_450 = vector.shape_cast %get3A_449 : vector<1x16xi32> to vector<16xi32>
    %get3A_451 = arith.constant 2 : i32
    %get3A_452 = arith.index_cast %get3A_451 : i32 to index
    %get3A_453 = arith.constant 336 : index
    %get3A_454 = tpu.vector_load %arg5[%get3A_452, %get3A_453] {strides = array<i32>} : memref<35x512xi32, #tpu.memory_space<vmem>>, vector<1x16xi32>,
    %get3A_455 = vector.shape_cast %get3A_454 : vector<1x16xi32> to vector<16xi32>
    %mul3A_456 = arith.muli %get3A_450, %broadcast_in_dim3A_11 : vector<16xi32>
    %add3A_457 = arith.addi %mul3A_456, %get3A_455 : vector<16xi32>
    %swap3A_458 = arith.constant 0 : i32
    %swap3A_459 = arith.constant 2 : i32
    %swap3A_460 = arith.index_cast %swap3A_458 : i32 to index
    %swap3A_461 = arith.index_cast %swap3A_459 : i32 to index
    %swap3A_462 = arith.constant 80 : index
    %swap3A_463 = tpu.vector_load %arg6[%swap3A_460, %swap3A_461, %swap3A_462] {strides = array<i32>} : memref<14x4x128xi32, #tpu.memory_space<vmem>>, vector<1x1x16xi32>,
    %swap3A_464 = vector.shape_cast %swap3A_463 : vector<1x1x16xi32> to vector<16xi32>
    %swap3A_465 = vector.shape_cast %add3A_457 : vector<16xi32> to vector<1x1x16xi32>
    tpu.vector_store %arg6[%swap3A_460, %swap3A_461, %swap3A_462], %swap3A_465 {strides = array<i32>} : memref<14x4x128xi32, #tpu.memory_space<vmem>>, vector<1x1x16xi32>,
    %get3A_466 = arith.constant 1 : i32
    %get3A_467 = arith.index_cast %get3A_466 : i32 to index
    %get3A_468 = arith.constant 352 : index
    %get3A_469 = tpu.vector_load %arg5[%get3A_467, %get3A_468] {strides = array<i32>} : memref<35x512xi32, #tpu.memory_space<vmem>>, vector<1x16xi32>,
    %get3A_470 = vector.shape_cast %get3A_469 : vector<1x16xi32> to vector<16xi32>
    %get3A_471 = arith.constant 2 : i32
    %get3A_472 = arith.index_cast %get3A_471 : i32 to index
    %get3A_473 = arith.constant 352 : index
    %get3A_474 = tpu.vector_load %arg5[%get3A_472, %get3A_473] {strides = array<i32>} : memref<35x512xi32, #tpu.memory_space<vmem>>, vector<1x16xi32>,
    %get3A_475 = vector.shape_cast %get3A_474 : vector<1x16xi32> to vector<16xi32>
    %mul3A_476 = arith.muli %get3A_470, %broadcast_in_dim3A_11 : vector<16xi32>
    %add3A_477 = arith.addi %mul3A_476, %get3A_475 : vector<16xi32>
    %swap3A_478 = arith.constant 0 : i32
    %swap3A_479 = arith.constant 2 : i32
    %swap3A_480 = arith.index_cast %swap3A_478 : i32 to index
    %swap3A_481 = arith.index_cast %swap3A_479 : i32 to index
    %swap3A_482 = arith.constant 96 : index
    %swap3A_483 = tpu.vector_load %arg6[%swap3A_480, %swap3A_481, %swap3A_482] {strides = array<i32>} : memref<14x4x128xi32, #tpu.memory_space<vmem>>, vector<1x1x16xi32>,
    %swap3A_484 = vector.shape_cast %swap3A_483 : vector<1x1x16xi32> to vector<16xi32>
    %swap3A_485 = vector.shape_cast %add3A_477 : vector<16xi32> to vector<1x1x16xi32>
    tpu.vector_store %arg6[%swap3A_480, %swap3A_481, %swap3A_482], %swap3A_485 {strides = array<i32>} : memref<14x4x128xi32, #tpu.memory_space<vmem>>, vector<1x1x16xi32>,
    %get3A_486 = arith.constant 1 : i32
    %get3A_487 = arith.index_cast %get3A_486 : i32 to index
    %get3A_488 = arith.constant 368 : index
    %get3A_489 = tpu.vector_load %arg5[%get3A_487, %get3A_488] {strides = array<i32>} : memref<35x512xi32, #tpu.memory_space<vmem>>, vector<1x16xi32>,
    %get3A_490 = vector.shape_cast %get3A_489 : vector<1x16xi32> to vector<16xi32>
    %get3A_491 = arith.constant 2 : i32
    %get3A_492 = arith.index_cast %get3A_491 : i32 to index
    %get3A_493 = arith.constant 368 : index
    %get3A_494 = tpu.vector_load %arg5[%get3A_492, %get3A_493] {strides = array<i32>} : memref<35x512xi32, #tpu.memory_space<vmem>>, vector<1x16xi32>,
    %get3A_495 = vector.shape_cast %get3A_494 : vector<1x16xi32> to vector<16xi32>
    %mul3A_496 = arith.muli %get3A_490, %broadcast_in_dim3A_11 : vector<16xi32>
    %add3A_497 = arith.addi %mul3A_496, %get3A_495 : vector<16xi32>
    %swap3A_498 = arith.constant 0 : i32
    %swap3A_499 = arith.constant 2 : i32
    %swap3A_500 = arith.index_cast %swap3A_498 : i32 to index
    %swap3A_501 = arith.index_cast %swap3A_499 : i32 to index
    %swap3A_502 = arith.constant 112 : index
    %swap3A_503 = tpu.vector_load %arg6[%swap3A_500, %swap3A_501, %swap3A_502] {strides = array<i32>} : memref<14x4x128xi32, #tpu.memory_space<vmem>>, vector<1x1x16xi32>,
    %swap3A_504 = vector.shape_cast %swap3A_503 : vector<1x1x16xi32> to vector<16xi32>
    %swap3A_505 = vector.shape_cast %add3A_497 : vector<16xi32> to vector<1x1x16xi32>
    tpu.vector_store %arg6[%swap3A_500, %swap3A_501, %swap3A_502], %swap3A_505 {strides = array<i32>} : memref<14x4x128xi32, #tpu.memory_space<vmem>>, vector<1x1x16xi32>,
    %dma_start3A_506 = arith.constant 0 : i32
    %dma_start3A_507 = arith.constant 2 : i32
    %dma_start3A_508 = arith.constant 0 : i32
    %dma_start3A_509 = tpu.memref_slice %arg6[%dma_start3A_506, %dma_start3A_507, %dma_start3A_508] : memref<14x4x128xi32, #tpu.memory_space<vmem>> -> memref<1x1x128xi32, #tpu.memory_space<vmem>>
    %dma_start3A_510 = tpu.memref_squeeze %dma_start3A_509 : memref<1x1x128xi32, #tpu.memory_space<vmem>> -> memref<128xi32, #tpu.memory_space<vmem>>
    %dma_start3A_511 = arith.constant 0 : i32
    %dma_start3A_512 = arith.constant 0 : i32
    %dma_start3A_513 = tpu.memref_slice %arg7[%dma_start3A_511, %dma_start3A_512] : memref<49x128xf32, #tpu.memory_space<vmem_shared>> -> memref<49x128xf32, #tpu.memory_space<vmem_shared>>
    tpu.enqueue_indirect_dma source(%dma_start3A_513 : memref<49x128xf32, #tpu.memory_space<vmem_shared>>) target(%arg10 : memref<128x128xf32, #tpu.memory_space<vmem>>) offsets(%dma_start3A_510 : memref<128xi32, #tpu.memory_space<vmem>>) semaphore(%arg14 : memref<!tpu.dma_semaphore, #tpu.memory_space<semaphore_mem>>)
    %scan3A = arith.constant 0 : i32
    %scan3A_514 = arith.constant 0 : i32
    %scan3A_515 = arith.constant 14 : i32
    %scan3A_516 = arith.addi %scan3A_514, %scan3A_515 : i32
    %scan3A_517 = arith.constant 1 : i32
    scf.for %scan3A_543 = %scan3A_514 to %scan3A_516 step %scan3A_517  : i32 {
      %mul3A_544 = arith.constant 4 : i32
      %mul3A_545 = arith.muli %scan3A_543, %mul3A_544 : i32
      %add3A_546 = arith.constant 0 : i32
      %add3A_547 = arith.addi %mul3A_545, %add3A_546 : i32
      %dma_wait3A_548 = arith.constant 0 : i32
      %dma_wait3A_549 = arith.constant 0 : i32
      %dma_wait3A_550 = arith.constant 0 : i32
      %dma_wait3A_551 = tpu.memref_slice %arg6[%dma_wait3A_548, %dma_wait3A_549, %dma_wait3A_550] : memref<14x4x128xi32, #tpu.memory_space<vmem>> -> memref<1x1x128xi32, #tpu.memory_space<vmem>>
      %dma_wait3A_552 = tpu.memref_squeeze %dma_wait3A_551 : memref<1x1x128xi32, #tpu.memory_space<vmem>> -> memref<128xi32, #tpu.memory_space<vmem>>
      %dma_wait3A_553 = arith.constant 0 : i32
      %dma_wait3A_554 = arith.constant 0 : i32
      %dma_wait3A_555 = tpu.memref_slice %arg7[%dma_wait3A_553, %dma_wait3A_554] : memref<49x128xf32, #tpu.memory_space<vmem_shared>> -> memref<49x128xf32, #tpu.memory_space<vmem_shared>>
      tpu.wait_indirect_dma semaphore(%arg12 : memref<!tpu.dma_semaphore, #tpu.memory_space<semaphore_mem>>) src(%dma_wait3A_555 : memref<49x128xf32, #tpu.memory_space<vmem_shared>>) dst(%arg8 : memref<128x128xf32, #tpu.memory_space<vmem>>)
      %add3A_556 = arith.constant 4 : i32
      %add3A_557 = arith.addi %add3A_547, %add3A_556 : i32
      %sub3A = arith.constant 1 : i32
      %sub3A_558 = arith.subi %add3A_557, %sub3A : i32
      %lt3A = arith.constant 56 : i32
      %lt3A_559 = arith.cmpi slt, %sub3A_558, %lt3A : i32
      %convert_element_type3A = arith.extui %lt3A_559 : i1 to i32
      %cond3A = arith.constant 0 : i32
      %cond3A_560 = arith.cmpi ne, %convert_element_type3A, %cond3A : i32
      scf.if %cond3A_560 {
        %jit3A_804 = arith.constant 4 : i32
        %div3A_805 = arith.divsi %sub3A_558, %jit3A_804 : i32
        %sign3A_806 = arith.constant 0 : i32
        %sign3A_807 = arith.cmpi sgt, %sub3A_558, %sign3A_806 : i32
        %sign3A_808 = arith.extui %sign3A_807 : i1 to i32
        %sign3A_809 = arith.constant 0 : i32
        %sign3A_810 = arith.cmpi slt, %sub3A_558, %sign3A_809 : i32
        %sign3A_811 = arith.extui %sign3A_810 : i1 to i32
        %sign3A_812 = arith.subi %sign3A_808, %sign3A_811 : i32
        %sign3A_813 = arith.constant 0 : i32
        %sign3A_814 = arith.cmpi sgt, %jit3A_804, %sign3A_813 : i32
        %sign3A_815 = arith.extui %sign3A_814 : i1 to i32
        %sign3A_816 = arith.constant 0 : i32
        %sign3A_817 = arith.cmpi slt, %jit3A_804, %sign3A_816 : i32
        %sign3A_818 = arith.extui %sign3A_817 : i1 to i32
        %sign3A_819 = arith.subi %sign3A_815, %sign3A_818 : i32
        %ne3A_820 = arith.cmpi ne, %sign3A_812, %sign3A_819 : i32
        %rem3A_821 = arith.remsi %sub3A_558, %jit3A_804 : i32
        %ne3A_822 = arith.constant 0 : i32
        %ne3A_823 = arith.cmpi ne, %rem3A_821, %ne3A_822 : i32
        %and3A_824 = arith.andi %ne3A_820, %ne3A_823 : i1
        %sub3A_825 = arith.constant 1 : i32
        %sub3A_826 = arith.subi %div3A_805, %sub3A_825 : i32
        %select_n3A_827 = arith.select %and3A_824, %sub3A_826, %div3A_805 : i32
        %jit3A_828 = arith.constant 4 : i32
        %eq3A_829 = arith.constant 0 : i32
        %eq3A_830 = arith.cmpi eq, %jit3A_828, %eq3A_829 : i32
        %jit3A_831 = arith.constant 1 : i32
        %select_n3A_832 = arith.select %eq3A_830, %jit3A_831, %jit3A_828 : i32
        %rem3A_833 = arith.remsi %sub3A_558, %select_n3A_832 : i32
        %ne3A_834 = arith.constant 0 : i32
        %ne3A_835 = arith.cmpi ne, %rem3A_833, %ne3A_834 : i32
        %lt3A_836 = arith.constant 0 : i32
        %lt3A_837 = arith.cmpi slt, %rem3A_833, %lt3A_836 : i32
        %lt3A_838 = arith.constant 0 : i32
        %lt3A_839 = arith.cmpi slt, %select_n3A_832, %lt3A_838 : i32
        %ne3A_840 = arith.xori %lt3A_837, %lt3A_839 : i1
        %and3A_841 = arith.andi %ne3A_840, %ne3A_835 : i1
        %add3A_842 = arith.addi %rem3A_833, %select_n3A_832 : i32
        %select_n3A_843 = arith.select %and3A_841, %add3A_842, %rem3A_833 : i32
        %shift_right_arithmetic3A = arith.constant 1 : i32
        %shift_right_arithmetic3A_844 = arith.shrsi %select_n3A_827, %shift_right_arithmetic3A : i32
        %mul3A_845 = arith.constant 5 : i32
        %mul3A_846 = arith.muli %shift_right_arithmetic3A_844, %mul3A_845 : i32
        %add3A_847 = arith.constant 1 : i32
        %add3A_848 = arith.addi %mul3A_846, %add3A_847 : i32
        %and3A_849 = arith.constant 1 : i32
        %and3A_850 = arith.andi %select_n3A_827, %and3A_849 : i32
        %mul3A_851 = arith.constant 2 : i32
        %mul3A_852 = arith.muli %mul3A_851, %and3A_850 : i32
        %add3A_853 = arith.addi %add3A_848, %mul3A_852 : i32
        %mul3A_854 = arith.constant 128 : i32
        %mul3A_855 = arith.muli %select_n3A_843, %mul3A_854 : i32
        %add3A_856 = arith.constant 0 : i32
        %add3A_857 = arith.addi %mul3A_855, %add3A_856 : i32
        %get3A_858 = arith.index_cast %add3A_853 : i32 to index
        %get3A_859 = arith.index_cast %add3A_857 : i32 to index
        %get3A_860 = tpu.vector_load %arg5[%get3A_858, %get3A_859] {strides = array<i32>} : memref<35x512xi32, #tpu.memory_space<vmem>>, vector<1x16xi32>,
        %get3A_861 = vector.shape_cast %get3A_860 : vector<1x16xi32> to vector<16xi32>
        %add3A_862 = arith.constant 1 : i32
        %add3A_863 = arith.addi %add3A_853, %add3A_862 : i32
        %get3A_864 = arith.index_cast %add3A_863 : i32 to index
        %get3A_865 = arith.index_cast %add3A_857 : i32 to index
        %get3A_866 = tpu.vector_load %arg5[%get3A_864, %get3A_865] {strides = array<i32>} : memref<35x512xi32, #tpu.memory_space<vmem>>, vector<1x16xi32>,
        %get3A_867 = vector.shape_cast %get3A_866 : vector<1x16xi32> to vector<16xi32>
        %mul3A_868 = arith.muli %get3A_861, %broadcast_in_dim3A_11 : vector<16xi32>
        %add3A_869 = arith.addi %mul3A_868, %get3A_867 : vector<16xi32>
        %swap3A_870 = arith.index_cast %select_n3A_827 : i32 to index
        %swap3A_871 = arith.index_cast %select_n3A_843 : i32 to index
        %swap3A_872 = arith.constant 0 : index
        %swap3A_873 = tpu.vector_load %arg6[%swap3A_870, %swap3A_871, %swap3A_872] {strides = array<i32>} : memref<14x4x128xi32, #tpu.memory_space<vmem>>, vector<1x1x16xi32>,
        %swap3A_874 = vector.shape_cast %swap3A_873 : vector<1x1x16xi32> to vector<16xi32>
        %swap3A_875 = vector.shape_cast %add3A_869 : vector<16xi32> to vector<1x1x16xi32>
        tpu.vector_store %arg6[%swap3A_870, %swap3A_871, %swap3A_872], %swap3A_875 {strides = array<i32>} : memref<14x4x128xi32, #tpu.memory_space<vmem>>, vector<1x1x16xi32>,
        %mul3A_876 = arith.constant 128 : i32
        %mul3A_877 = arith.muli %select_n3A_843, %mul3A_876 : i32
        %add3A_878 = arith.constant 16 : i32
        %add3A_879 = arith.addi %mul3A_877, %add3A_878 : i32
        %get3A_880 = arith.index_cast %add3A_853 : i32 to index
        %get3A_881 = arith.index_cast %add3A_879 : i32 to index
        %get3A_882 = tpu.vector_load %arg5[%get3A_880, %get3A_881] {strides = array<i32>} : memref<35x512xi32, #tpu.memory_space<vmem>>, vector<1x16xi32>,
        %get3A_883 = vector.shape_cast %get3A_882 : vector<1x16xi32> to vector<16xi32>
        %add3A_884 = arith.constant 1 : i32
        %add3A_885 = arith.addi %add3A_853, %add3A_884 : i32
        %get3A_886 = arith.index_cast %add3A_885 : i32 to index
        %get3A_887 = arith.index_cast %add3A_879 : i32 to index
        %get3A_888 = tpu.vector_load %arg5[%get3A_886, %get3A_887] {strides = array<i32>} : memref<35x512xi32, #tpu.memory_space<vmem>>, vector<1x16xi32>,
        %get3A_889 = vector.shape_cast %get3A_888 : vector<1x16xi32> to vector<16xi32>
        %mul3A_890 = arith.muli %get3A_883, %broadcast_in_dim3A_11 : vector<16xi32>
        %add3A_891 = arith.addi %mul3A_890, %get3A_889 : vector<16xi32>
        %swap3A_892 = arith.index_cast %select_n3A_827 : i32 to index
        %swap3A_893 = arith.index_cast %select_n3A_843 : i32 to index
        %swap3A_894 = arith.constant 16 : index
        %swap3A_895 = tpu.vector_load %arg6[%swap3A_892, %swap3A_893, %swap3A_894] {strides = array<i32>} : memref<14x4x128xi32, #tpu.memory_space<vmem>>, vector<1x1x16xi32>,
        %swap3A_896 = vector.shape_cast %swap3A_895 : vector<1x1x16xi32> to vector<16xi32>
        %swap3A_897 = vector.shape_cast %add3A_891 : vector<16xi32> to vector<1x1x16xi32>
        tpu.vector_store %arg6[%swap3A_892, %swap3A_893, %swap3A_894], %swap3A_897 {strides = array<i32>} : memref<14x4x128xi32, #tpu.memory_space<vmem>>, vector<1x1x16xi32>,
        %mul3A_898 = arith.constant 128 : i32
        %mul3A_899 = arith.muli %select_n3A_843, %mul3A_898 : i32
        %add3A_900 = arith.constant 32 : i32
        %add3A_901 = arith.addi %mul3A_899, %add3A_900 : i32
        %get3A_902 = arith.index_cast %add3A_853 : i32 to index
        %get3A_903 = arith.index_cast %add3A_901 : i32 to index
        %get3A_904 = tpu.vector_load %arg5[%get3A_902, %get3A_903] {strides = array<i32>} : memref<35x512xi32, #tpu.memory_space<vmem>>, vector<1x16xi32>,
        %get3A_905 = vector.shape_cast %get3A_904 : vector<1x16xi32> to vector<16xi32>
        %add3A_906 = arith.constant 1 : i32
        %add3A_907 = arith.addi %add3A_853, %add3A_906 : i32
        %get3A_908 = arith.index_cast %add3A_907 : i32 to index
        %get3A_909 = arith.index_cast %add3A_901 : i32 to index
        %get3A_910 = tpu.vector_load %arg5[%get3A_908, %get3A_909] {strides = array<i32>} : memref<35x512xi32, #tpu.memory_space<vmem>>, vector<1x16xi32>,
        %get3A_911 = vector.shape_cast %get3A_910 : vector<1x16xi32> to vector<16xi32>
        %mul3A_912 = arith.muli %get3A_905, %broadcast_in_dim3A_11 : vector<16xi32>
        %add3A_913 = arith.addi %mul3A_912, %get3A_911 : vector<16xi32>
        %swap3A_914 = arith.index_cast %select_n3A_827 : i32 to index
        %swap3A_915 = arith.index_cast %select_n3A_843 : i32 to index
        %swap3A_916 = arith.constant 32 : index
        %swap3A_917 = tpu.vector_load %arg6[%swap3A_914, %swap3A_915, %swap3A_916] {strides = array<i32>} : memref<14x4x128xi32, #tpu.memory_space<vmem>>, vector<1x1x16xi32>,
        %swap3A_918 = vector.shape_cast %swap3A_917 : vector<1x1x16xi32> to vector<16xi32>
        %swap3A_919 = vector.shape_cast %add3A_913 : vector<16xi32> to vector<1x1x16xi32>
        tpu.vector_store %arg6[%swap3A_914, %swap3A_915, %swap3A_916], %swap3A_919 {strides = array<i32>} : memref<14x4x128xi32, #tpu.memory_space<vmem>>, vector<1x1x16xi32>,
        %mul3A_920 = arith.constant 128 : i32
        %mul3A_921 = arith.muli %select_n3A_843, %mul3A_920 : i32
        %add3A_922 = arith.constant 48 : i32
        %add3A_923 = arith.addi %mul3A_921, %add3A_922 : i32
        %get3A_924 = arith.index_cast %add3A_853 : i32 to index
        %get3A_925 = arith.index_cast %add3A_923 : i32 to index
        %get3A_926 = tpu.vector_load %arg5[%get3A_924, %get3A_925] {strides = array<i32>} : memref<35x512xi32, #tpu.memory_space<vmem>>, vector<1x16xi32>,
        %get3A_927 = vector.shape_cast %get3A_926 : vector<1x16xi32> to vector<16xi32>
        %add3A_928 = arith.constant 1 : i32
        %add3A_929 = arith.addi %add3A_853, %add3A_928 : i32
        %get3A_930 = arith.index_cast %add3A_929 : i32 to index
        %get3A_931 = arith.index_cast %add3A_923 : i32 to index
        %get3A_932 = tpu.vector_load %arg5[%get3A_930, %get3A_931] {strides = array<i32>} : memref<35x512xi32, #tpu.memory_space<vmem>>, vector<1x16xi32>,
        %get3A_933 = vector.shape_cast %get3A_932 : vector<1x16xi32> to vector<16xi32>
        %mul3A_934 = arith.muli %get3A_927, %broadcast_in_dim3A_11 : vector<16xi32>
        %add3A_935 = arith.addi %mul3A_934, %get3A_933 : vector<16xi32>
        %swap3A_936 = arith.index_cast %select_n3A_827 : i32 to index
        %swap3A_937 = arith.index_cast %select_n3A_843 : i32 to index
        %swap3A_938 = arith.constant 48 : index
        %swap3A_939 = tpu.vector_load %arg6[%swap3A_936, %swap3A_937, %swap3A_938] {strides = array<i32>} : memref<14x4x128xi32, #tpu.memory_space<vmem>>, vector<1x1x16xi32>,
        %swap3A_940 = vector.shape_cast %swap3A_939 : vector<1x1x16xi32> to vector<16xi32>
        %swap3A_941 = vector.shape_cast %add3A_935 : vector<16xi32> to vector<1x1x16xi32>
        tpu.vector_store %arg6[%swap3A_936, %swap3A_937, %swap3A_938], %swap3A_941 {strides = array<i32>} : memref<14x4x128xi32, #tpu.memory_space<vmem>>, vector<1x1x16xi32>,
        %mul3A_942 = arith.constant 128 : i32
        %mul3A_943 = arith.muli %select_n3A_843, %mul3A_942 : i32
        %add3A_944 = arith.constant 64 : i32
        %add3A_945 = arith.addi %mul3A_943, %add3A_944 : i32
        %get3A_946 = arith.index_cast %add3A_853 : i32 to index
        %get3A_947 = arith.index_cast %add3A_945 : i32 to index
        %get3A_948 = tpu.vector_load %arg5[%get3A_946, %get3A_947] {strides = array<i32>} : memref<35x512xi32, #tpu.memory_space<vmem>>, vector<1x16xi32>,
        %get3A_949 = vector.shape_cast %get3A_948 : vector<1x16xi32> to vector<16xi32>
        %add3A_950 = arith.constant 1 : i32
        %add3A_951 = arith.addi %add3A_853, %add3A_950 : i32
        %get3A_952 = arith.index_cast %add3A_951 : i32 to index
        %get3A_953 = arith.index_cast %add3A_945 : i32 to index
        %get3A_954 = tpu.vector_load %arg5[%get3A_952, %get3A_953] {strides = array<i32>} : memref<35x512xi32, #tpu.memory_space<vmem>>, vector<1x16xi32>,
        %get3A_955 = vector.shape_cast %get3A_954 : vector<1x16xi32> to vector<16xi32>
        %mul3A_956 = arith.muli %get3A_949, %broadcast_in_dim3A_11 : vector<16xi32>
        %add3A_957 = arith.addi %mul3A_956, %get3A_955 : vector<16xi32>
        %swap3A_958 = arith.index_cast %select_n3A_827 : i32 to index
        %swap3A_959 = arith.index_cast %select_n3A_843 : i32 to index
        %swap3A_960 = arith.constant 64 : index
        %swap3A_961 = tpu.vector_load %arg6[%swap3A_958, %swap3A_959, %swap3A_960] {strides = array<i32>} : memref<14x4x128xi32, #tpu.memory_space<vmem>>, vector<1x1x16xi32>,
        %swap3A_962 = vector.shape_cast %swap3A_961 : vector<1x1x16xi32> to vector<16xi32>
        %swap3A_963 = vector.shape_cast %add3A_957 : vector<16xi32> to vector<1x1x16xi32>
        tpu.vector_store %arg6[%swap3A_958, %swap3A_959, %swap3A_960], %swap3A_963 {strides = array<i32>} : memref<14x4x128xi32, #tpu.memory_space<vmem>>, vector<1x1x16xi32>,
        %mul3A_964 = arith.constant 128 : i32
        %mul3A_965 = arith.muli %select_n3A_843, %mul3A_964 : i32
        %add3A_966 = arith.constant 80 : i32
        %add3A_967 = arith.addi %mul3A_965, %add3A_966 : i32
        %get3A_968 = arith.index_cast %add3A_853 : i32 to index
        %get3A_969 = arith.index_cast %add3A_967 : i32 to index
        %get3A_970 = tpu.vector_load %arg5[%get3A_968, %get3A_969] {strides = array<i32>} : memref<35x512xi32, #tpu.memory_space<vmem>>, vector<1x16xi32>,
        %get3A_971 = vector.shape_cast %get3A_970 : vector<1x16xi32> to vector<16xi32>
        %add3A_972 = arith.constant 1 : i32
        %add3A_973 = arith.addi %add3A_853, %add3A_972 : i32
        %get3A_974 = arith.index_cast %add3A_973 : i32 to index
        %get3A_975 = arith.index_cast %add3A_967 : i32 to index
        %get3A_976 = tpu.vector_load %arg5[%get3A_974, %get3A_975] {strides = array<i32>} : memref<35x512xi32, #tpu.memory_space<vmem>>, vector<1x16xi32>,
        %get3A_977 = vector.shape_cast %get3A_976 : vector<1x16xi32> to vector<16xi32>
        %mul3A_978 = arith.muli %get3A_971, %broadcast_in_dim3A_11 : vector<16xi32>
        %add3A_979 = arith.addi %mul3A_978, %get3A_977 : vector<16xi32>
        %swap3A_980 = arith.index_cast %select_n3A_827 : i32 to index
        %swap3A_981 = arith.index_cast %select_n3A_843 : i32 to index
        %swap3A_982 = arith.constant 80 : index
        %swap3A_983 = tpu.vector_load %arg6[%swap3A_980, %swap3A_981, %swap3A_982] {strides = array<i32>} : memref<14x4x128xi32, #tpu.memory_space<vmem>>, vector<1x1x16xi32>,
        %swap3A_984 = vector.shape_cast %swap3A_983 : vector<1x1x16xi32> to vector<16xi32>
        %swap3A_985 = vector.shape_cast %add3A_979 : vector<16xi32> to vector<1x1x16xi32>
        tpu.vector_store %arg6[%swap3A_980, %swap3A_981, %swap3A_982], %swap3A_985 {strides = array<i32>} : memref<14x4x128xi32, #tpu.memory_space<vmem>>, vector<1x1x16xi32>,
        %mul3A_986 = arith.constant 128 : i32
        %mul3A_987 = arith.muli %select_n3A_843, %mul3A_986 : i32
        %add3A_988 = arith.constant 96 : i32
        %add3A_989 = arith.addi %mul3A_987, %add3A_988 : i32
        %get3A_990 = arith.index_cast %add3A_853 : i32 to index
        %get3A_991 = arith.index_cast %add3A_989 : i32 to index
        %get3A_992 = tpu.vector_load %arg5[%get3A_990, %get3A_991] {strides = array<i32>} : memref<35x512xi32, #tpu.memory_space<vmem>>, vector<1x16xi32>,
        %get3A_993 = vector.shape_cast %get3A_992 : vector<1x16xi32> to vector<16xi32>
        %add3A_994 = arith.constant 1 : i32
        %add3A_995 = arith.addi %add3A_853, %add3A_994 : i32
        %get3A_996 = arith.index_cast %add3A_995 : i32 to index
        %get3A_997 = arith.index_cast %add3A_989 : i32 to index
        %get3A_998 = tpu.vector_load %arg5[%get3A_996, %get3A_997] {strides = array<i32>} : memref<35x512xi32, #tpu.memory_space<vmem>>, vector<1x16xi32>,
        %get3A_999 = vector.shape_cast %get3A_998 : vector<1x16xi32> to vector<16xi32>
        %mul3A_1000 = arith.muli %get3A_993, %broadcast_in_dim3A_11 : vector<16xi32>
        %add3A_1001 = arith.addi %mul3A_1000, %get3A_999 : vector<16xi32>
        %swap3A_1002 = arith.index_cast %select_n3A_827 : i32 to index
        %swap3A_1003 = arith.index_cast %select_n3A_843 : i32 to index
        %swap3A_1004 = arith.constant 96 : index
        %swap3A_1005 = tpu.vector_load %arg6[%swap3A_1002, %swap3A_1003, %swap3A_1004] {strides = array<i32>} : memref<14x4x128xi32, #tpu.memory_space<vmem>>, vector<1x1x16xi32>,
        %swap3A_1006 = vector.shape_cast %swap3A_1005 : vector<1x1x16xi32> to vector<16xi32>
        %swap3A_1007 = vector.shape_cast %add3A_1001 : vector<16xi32> to vector<1x1x16xi32>
        tpu.vector_store %arg6[%swap3A_1002, %swap3A_1003, %swap3A_1004], %swap3A_1007 {strides = array<i32>} : memref<14x4x128xi32, #tpu.memory_space<vmem>>, vector<1x1x16xi32>,
        %mul3A_1008 = arith.constant 128 : i32
        %mul3A_1009 = arith.muli %select_n3A_843, %mul3A_1008 : i32
        %add3A_1010 = arith.constant 112 : i32
        %add3A_1011 = arith.addi %mul3A_1009, %add3A_1010 : i32
        %get3A_1012 = arith.index_cast %add3A_853 : i32 to index
        %get3A_1013 = arith.index_cast %add3A_1011 : i32 to index
        %get3A_1014 = tpu.vector_load %arg5[%get3A_1012, %get3A_1013] {strides = array<i32>} : memref<35x512xi32, #tpu.memory_space<vmem>>, vector<1x16xi32>,
        %get3A_1015 = vector.shape_cast %get3A_1014 : vector<1x16xi32> to vector<16xi32>
        %add3A_1016 = arith.constant 1 : i32
        %add3A_1017 = arith.addi %add3A_853, %add3A_1016 : i32
        %get3A_1018 = arith.index_cast %add3A_1017 : i32 to index
        %get3A_1019 = arith.index_cast %add3A_1011 : i32 to index
        %get3A_1020 = tpu.vector_load %arg5[%get3A_1018, %get3A_1019] {strides = array<i32>} : memref<35x512xi32, #tpu.memory_space<vmem>>, vector<1x16xi32>,
        %get3A_1021 = vector.shape_cast %get3A_1020 : vector<1x16xi32> to vector<16xi32>
        %mul3A_1022 = arith.muli %get3A_1015, %broadcast_in_dim3A_11 : vector<16xi32>
        %add3A_1023 = arith.addi %mul3A_1022, %get3A_1021 : vector<16xi32>
        %swap3A_1024 = arith.index_cast %select_n3A_827 : i32 to index
        %swap3A_1025 = arith.index_cast %select_n3A_843 : i32 to index
        %swap3A_1026 = arith.constant 112 : index
        %swap3A_1027 = tpu.vector_load %arg6[%swap3A_1024, %swap3A_1025, %swap3A_1026] {strides = array<i32>} : memref<14x4x128xi32, #tpu.memory_space<vmem>>, vector<1x1x16xi32>,
        %swap3A_1028 = vector.shape_cast %swap3A_1027 : vector<1x1x16xi32> to vector<16xi32>
        %swap3A_1029 = vector.shape_cast %add3A_1023 : vector<16xi32> to vector<1x1x16xi32>
        tpu.vector_store %arg6[%swap3A_1024, %swap3A_1025, %swap3A_1026], %swap3A_1029 {strides = array<i32>} : memref<14x4x128xi32, #tpu.memory_space<vmem>>, vector<1x1x16xi32>,
        %ge3A = arith.constant 1 : i32
        %ge3A_1030 = arith.cmpi sge, %add3A_547, %ge3A : i32
        %convert_element_type3A_1031 = arith.extui %ge3A_1030 : i1 to i32
        %cond3A_1032 = arith.constant 0 : i32
        %cond3A_1033 = arith.cmpi ne, %convert_element_type3A_1031, %cond3A_1032 : i32
        scf.if %cond3A_1033 {
          %dma_wait3A_1080 = arith.constant 0 : i32
          %dma_wait3A_1081 = arith.constant 0 : i32
          %dma_wait3A_1082 = tpu.memref_slice %arg4[%dma_wait3A_1080, %dma_wait3A_1081] : memref<16384x1792xf32, #tpu.memory_space<hbm>> -> memref<128x128xf32, #tpu.memory_space<hbm>>
          %dma_wait3A_1083 = arith.constant 0 : i32
          %dma_wait3A_1084 = arith.constant 0 : i32
          %dma_wait3A_1085 = tpu.memref_slice %arg4[%dma_wait3A_1083, %dma_wait3A_1084] : memref<16384x1792xf32, #tpu.memory_space<hbm>> -> memref<128x128xf32, #tpu.memory_space<hbm>>
          tpu.wait_dma2 semaphore(%arg19 : memref<!tpu.dma_semaphore, #tpu.memory_space<semaphore_mem>>) src(%arg11 : memref<128x128xf32, #tpu.memory_space<vmem>>) dst(%dma_wait3A_1085 : memref<128x128xf32, #tpu.memory_space<hbm>>)
        } else {
        }
        %jit3A_1034 = arith.constant 4 : i32
        %div3A_1035 = arith.divsi %sub3A_558, %jit3A_1034 : i32
        %sign3A_1036 = arith.constant 0 : i32
        %sign3A_1037 = arith.cmpi sgt, %sub3A_558, %sign3A_1036 : i32
        %sign3A_1038 = arith.extui %sign3A_1037 : i1 to i32
        %sign3A_1039 = arith.constant 0 : i32
        %sign3A_1040 = arith.cmpi slt, %sub3A_558, %sign3A_1039 : i32
        %sign3A_1041 = arith.extui %sign3A_1040 : i1 to i32
        %sign3A_1042 = arith.subi %sign3A_1038, %sign3A_1041 : i32
        %sign3A_1043 = arith.constant 0 : i32
        %sign3A_1044 = arith.cmpi sgt, %jit3A_1034, %sign3A_1043 : i32
        %sign3A_1045 = arith.extui %sign3A_1044 : i1 to i32
        %sign3A_1046 = arith.constant 0 : i32
        %sign3A_1047 = arith.cmpi slt, %jit3A_1034, %sign3A_1046 : i32
        %sign3A_1048 = arith.extui %sign3A_1047 : i1 to i32
        %sign3A_1049 = arith.subi %sign3A_1045, %sign3A_1048 : i32
        %ne3A_1050 = arith.cmpi ne, %sign3A_1042, %sign3A_1049 : i32
        %rem3A_1051 = arith.remsi %sub3A_558, %jit3A_1034 : i32
        %ne3A_1052 = arith.constant 0 : i32
        %ne3A_1053 = arith.cmpi ne, %rem3A_1051, %ne3A_1052 : i32
        %and3A_1054 = arith.andi %ne3A_1050, %ne3A_1053 : i1
        %sub3A_1055 = arith.constant 1 : i32
        %sub3A_1056 = arith.subi %div3A_1035, %sub3A_1055 : i32
        %select_n3A_1057 = arith.select %and3A_1054, %sub3A_1056, %div3A_1035 : i32
        %jit3A_1058 = arith.constant 4 : i32
        %eq3A_1059 = arith.constant 0 : i32
        %eq3A_1060 = arith.cmpi eq, %jit3A_1058, %eq3A_1059 : i32
        %jit3A_1061 = arith.constant 1 : i32
        %select_n3A_1062 = arith.select %eq3A_1060, %jit3A_1061, %jit3A_1058 : i32
        %rem3A_1063 = arith.remsi %sub3A_558, %select_n3A_1062 : i32
        %ne3A_1064 = arith.constant 0 : i32
        %ne3A_1065 = arith.cmpi ne, %rem3A_1063, %ne3A_1064 : i32
        %lt3A_1066 = arith.constant 0 : i32
        %lt3A_1067 = arith.cmpi slt, %rem3A_1063, %lt3A_1066 : i32
        %lt3A_1068 = arith.constant 0 : i32
        %lt3A_1069 = arith.cmpi slt, %select_n3A_1062, %lt3A_1068 : i32
        %ne3A_1070 = arith.xori %lt3A_1067, %lt3A_1069 : i1
        %and3A_1071 = arith.andi %ne3A_1070, %ne3A_1065 : i1
        %add3A_1072 = arith.addi %rem3A_1063, %select_n3A_1062 : i32
        %select_n3A_1073 = arith.select %and3A_1071, %add3A_1072, %rem3A_1063 : i32
        %dma_start3A_1074 = arith.constant 0 : i32
        %dma_start3A_1075 = tpu.memref_slice %arg6[%select_n3A_1057, %select_n3A_1073, %dma_start3A_1074] : memref<14x4x128xi32, #tpu.memory_space<vmem>> -> memref<1x1x128xi32, #tpu.memory_space<vmem>>
        %dma_start3A_1076 = tpu.memref_squeeze %dma_start3A_1075 : memref<1x1x128xi32, #tpu.memory_space<vmem>> -> memref<128xi32, #tpu.memory_space<vmem>>
        %dma_start3A_1077 = arith.constant 0 : i32
        %dma_start3A_1078 = arith.constant 0 : i32
        %dma_start3A_1079 = tpu.memref_slice %arg7[%dma_start3A_1077, %dma_start3A_1078] : memref<49x128xf32, #tpu.memory_space<vmem_shared>> -> memref<49x128xf32, #tpu.memory_space<vmem_shared>>
        tpu.enqueue_indirect_dma source(%dma_start3A_1079 : memref<49x128xf32, #tpu.memory_space<vmem_shared>>) target(%arg11 : memref<128x128xf32, #tpu.memory_space<vmem>>) offsets(%dma_start3A_1076 : memref<128xi32, #tpu.memory_space<vmem>>) semaphore(%arg15 : memref<!tpu.dma_semaphore, #tpu.memory_space<semaphore_mem>>)
      } else {
      }
      %jit3A = arith.constant 4 : i32
      %eq3A = arith.constant 0 : i32
      %eq3A_561 = arith.cmpi eq, %jit3A, %eq3A : i32
      %jit3A_562 = arith.constant 1 : i32
      %select_n3A = arith.select %eq3A_561, %jit3A_562, %jit3A : i32
      %rem3A = arith.remsi %add3A_547, %select_n3A : i32
      %ne3A = arith.constant 0 : i32
      %ne3A_563 = arith.cmpi ne, %rem3A, %ne3A : i32
      %lt3A_564 = arith.constant 0 : i32
      %lt3A_565 = arith.cmpi slt, %rem3A, %lt3A_564 : i32
      %lt3A_566 = arith.constant 0 : i32
      %lt3A_567 = arith.cmpi slt, %select_n3A, %lt3A_566 : i32
      %ne3A_568 = arith.xori %lt3A_565, %lt3A_567 : i1
      %and3A = arith.andi %ne3A_568, %ne3A_563 : i1
      %add3A_569 = arith.addi %rem3A, %select_n3A : i32
      %select_n3A_570 = arith.select %and3A, %add3A_569, %rem3A : i32
      %mul3A_571 = arith.constant 128 : i32
      %mul3A_572 = arith.muli %select_n3A_570, %mul3A_571 : i32
      %add3A_573 = arith.addi %mul3A_2, %mul3A_572 : i32
      %jit3A_574 = arith.constant 4 : i32
      %div3A = arith.divsi %add3A_547, %jit3A_574 : i32
      %sign3A = arith.constant 0 : i32
      %sign3A_575 = arith.cmpi sgt, %add3A_547, %sign3A : i32
      %sign3A_576 = arith.extui %sign3A_575 : i1 to i32
      %sign3A_577 = arith.constant 0 : i32
      %sign3A_578 = arith.cmpi slt, %add3A_547, %sign3A_577 : i32
      %sign3A_579 = arith.extui %sign3A_578 : i1 to i32
      %sign3A_580 = arith.subi %sign3A_576, %sign3A_579 : i32
      %sign3A_581 = arith.constant 0 : i32
      %sign3A_582 = arith.cmpi sgt, %jit3A_574, %sign3A_581 : i32
      %sign3A_583 = arith.extui %sign3A_582 : i1 to i32
      %sign3A_584 = arith.constant 0 : i32
      %sign3A_585 = arith.cmpi slt, %jit3A_574, %sign3A_584 : i32
      %sign3A_586 = arith.extui %sign3A_585 : i1 to i32
      %sign3A_587 = arith.subi %sign3A_583, %sign3A_586 : i32
      %ne3A_588 = arith.cmpi ne, %sign3A_580, %sign3A_587 : i32
      %rem3A_589 = arith.remsi %add3A_547, %jit3A_574 : i32
      %ne3A_590 = arith.constant 0 : i32
      %ne3A_591 = arith.cmpi ne, %rem3A_589, %ne3A_590 : i32
      %and3A_592 = arith.andi %ne3A_588, %ne3A_591 : i1
      %sub3A_593 = arith.constant 1 : i32
      %sub3A_594 = arith.subi %div3A, %sub3A_593 : i32
      %select_n3A_595 = arith.select %and3A_592, %sub3A_594, %div3A : i32
      %mul3A_596 = arith.constant 128 : i32
      %mul3A_597 = arith.muli %select_n3A_595, %mul3A_596 : i32
      %dma_start3A_598 = tpu.memref_slice %arg4[%add3A_573, %mul3A_597] : memref<16384x1792xf32, #tpu.memory_space<hbm>> -> memref<128x128xf32, #tpu.memory_space<hbm>>
      %dma_start3A_599 = tpu.memref_slice %arg4[%add3A_573, %mul3A_597] : memref<16384x1792xf32, #tpu.memory_space<hbm>> -> memref<128x128xf32, #tpu.memory_space<hbm>>
      tpu.enqueue_dma source(%arg8 : memref<128x128xf32, #tpu.memory_space<vmem>>) target(%dma_start3A_599 : memref<128x128xf32, #tpu.memory_space<hbm>>) target_semaphore(%arg16 : memref<!tpu.dma_semaphore, #tpu.memory_space<semaphore_mem>>)
      %mul3A_600 = arith.constant 4 : i32
      %mul3A_601 = arith.muli %scan3A_543, %mul3A_600 : i32
      %add3A_602 = arith.constant 1 : i32
      %add3A_603 = arith.addi %mul3A_601, %add3A_602 : i32
      %dma_wait3A_604 = arith.constant 0 : i32
      %dma_wait3A_605 = arith.constant 0 : i32
      %dma_wait3A_606 = arith.constant 0 : i32
      %dma_wait3A_607 = tpu.memref_slice %arg6[%dma_wait3A_604, %dma_wait3A_605, %dma_wait3A_606] : memref<14x4x128xi32, #tpu.memory_space<vmem>> -> memref<1x1x128xi32, #tpu.memory_space<vmem>>
      %dma_wait3A_608 = tpu.memref_squeeze %dma_wait3A_607 : memref<1x1x128xi32, #tpu.memory_space<vmem>> -> memref<128xi32, #tpu.memory_space<vmem>>
      %dma_wait3A_609 = arith.constant 0 : i32
      %dma_wait3A_610 = arith.constant 0 : i32
      %dma_wait3A_611 = tpu.memref_slice %arg7[%dma_wait3A_609, %dma_wait3A_610] : memref<49x128xf32, #tpu.memory_space<vmem_shared>> -> memref<49x128xf32, #tpu.memory_space<vmem_shared>>
      tpu.wait_indirect_dma semaphore(%arg13 : memref<!tpu.dma_semaphore, #tpu.memory_space<semaphore_mem>>) src(%dma_wait3A_611 : memref<49x128xf32, #tpu.memory_space<vmem_shared>>) dst(%arg9 : memref<128x128xf32, #tpu.memory_space<vmem>>)
      %add3A_612 = arith.constant 4 : i32
      %add3A_613 = arith.addi %add3A_603, %add3A_612 : i32
      %sub3A_614 = arith.constant 1 : i32
      %sub3A_615 = arith.subi %add3A_613, %sub3A_614 : i32
      %lt3A_616 = arith.constant 56 : i32
      %lt3A_617 = arith.cmpi slt, %sub3A_615, %lt3A_616 : i32
      %convert_element_type3A_618 = arith.extui %lt3A_617 : i1 to i32
      %cond3A_619 = arith.constant 0 : i32
      %cond3A_620 = arith.cmpi ne, %convert_element_type3A_618, %cond3A_619 : i32
      scf.if %cond3A_620 {
        %jit3A_804 = arith.constant 4 : i32
        %div3A_805 = arith.divsi %sub3A_615, %jit3A_804 : i32
        %sign3A_806 = arith.constant 0 : i32
        %sign3A_807 = arith.cmpi sgt, %sub3A_615, %sign3A_806 : i32
        %sign3A_808 = arith.extui %sign3A_807 : i1 to i32
        %sign3A_809 = arith.constant 0 : i32
        %sign3A_810 = arith.cmpi slt, %sub3A_615, %sign3A_809 : i32
        %sign3A_811 = arith.extui %sign3A_810 : i1 to i32
        %sign3A_812 = arith.subi %sign3A_808, %sign3A_811 : i32
        %sign3A_813 = arith.constant 0 : i32
        %sign3A_814 = arith.cmpi sgt, %jit3A_804, %sign3A_813 : i32
        %sign3A_815 = arith.extui %sign3A_814 : i1 to i32
        %sign3A_816 = arith.constant 0 : i32
        %sign3A_817 = arith.cmpi slt, %jit3A_804, %sign3A_816 : i32
        %sign3A_818 = arith.extui %sign3A_817 : i1 to i32
        %sign3A_819 = arith.subi %sign3A_815, %sign3A_818 : i32
        %ne3A_820 = arith.cmpi ne, %sign3A_812, %sign3A_819 : i32
        %rem3A_821 = arith.remsi %sub3A_615, %jit3A_804 : i32
        %ne3A_822 = arith.constant 0 : i32
        %ne3A_823 = arith.cmpi ne, %rem3A_821, %ne3A_822 : i32
        %and3A_824 = arith.andi %ne3A_820, %ne3A_823 : i1
        %sub3A_825 = arith.constant 1 : i32
        %sub3A_826 = arith.subi %div3A_805, %sub3A_825 : i32
        %select_n3A_827 = arith.select %and3A_824, %sub3A_826, %div3A_805 : i32
        %jit3A_828 = arith.constant 4 : i32
        %eq3A_829 = arith.constant 0 : i32
        %eq3A_830 = arith.cmpi eq, %jit3A_828, %eq3A_829 : i32
        %jit3A_831 = arith.constant 1 : i32
        %select_n3A_832 = arith.select %eq3A_830, %jit3A_831, %jit3A_828 : i32
        %rem3A_833 = arith.remsi %sub3A_615, %select_n3A_832 : i32
        %ne3A_834 = arith.constant 0 : i32
        %ne3A_835 = arith.cmpi ne, %rem3A_833, %ne3A_834 : i32
        %lt3A_836 = arith.constant 0 : i32
        %lt3A_837 = arith.cmpi slt, %rem3A_833, %lt3A_836 : i32
        %lt3A_838 = arith.constant 0 : i32
        %lt3A_839 = arith.cmpi slt, %select_n3A_832, %lt3A_838 : i32
        %ne3A_840 = arith.xori %lt3A_837, %lt3A_839 : i1
        %and3A_841 = arith.andi %ne3A_840, %ne3A_835 : i1
        %add3A_842 = arith.addi %rem3A_833, %select_n3A_832 : i32
        %select_n3A_843 = arith.select %and3A_841, %add3A_842, %rem3A_833 : i32
        %shift_right_arithmetic3A = arith.constant 1 : i32
        %shift_right_arithmetic3A_844 = arith.shrsi %select_n3A_827, %shift_right_arithmetic3A : i32
        %mul3A_845 = arith.constant 5 : i32
        %mul3A_846 = arith.muli %shift_right_arithmetic3A_844, %mul3A_845 : i32
        %add3A_847 = arith.constant 1 : i32
        %add3A_848 = arith.addi %mul3A_846, %add3A_847 : i32
        %and3A_849 = arith.constant 1 : i32
        %and3A_850 = arith.andi %select_n3A_827, %and3A_849 : i32
        %mul3A_851 = arith.constant 2 : i32
        %mul3A_852 = arith.muli %mul3A_851, %and3A_850 : i32
        %add3A_853 = arith.addi %add3A_848, %mul3A_852 : i32
        %mul3A_854 = arith.constant 128 : i32
        %mul3A_855 = arith.muli %select_n3A_843, %mul3A_854 : i32
        %add3A_856 = arith.constant 0 : i32
        %add3A_857 = arith.addi %mul3A_855, %add3A_856 : i32
        %get3A_858 = arith.index_cast %add3A_853 : i32 to index
        %get3A_859 = arith.index_cast %add3A_857 : i32 to index
        %get3A_860 = tpu.vector_load %arg5[%get3A_858, %get3A_859] {strides = array<i32>} : memref<35x512xi32, #tpu.memory_space<vmem>>, vector<1x16xi32>,
        %get3A_861 = vector.shape_cast %get3A_860 : vector<1x16xi32> to vector<16xi32>
        %add3A_862 = arith.constant 1 : i32
        %add3A_863 = arith.addi %add3A_853, %add3A_862 : i32
        %get3A_864 = arith.index_cast %add3A_863 : i32 to index
        %get3A_865 = arith.index_cast %add3A_857 : i32 to index
        %get3A_866 = tpu.vector_load %arg5[%get3A_864, %get3A_865] {strides = array<i32>} : memref<35x512xi32, #tpu.memory_space<vmem>>, vector<1x16xi32>,
        %get3A_867 = vector.shape_cast %get3A_866 : vector<1x16xi32> to vector<16xi32>
        %mul3A_868 = arith.muli %get3A_861, %broadcast_in_dim3A_11 : vector<16xi32>
        %add3A_869 = arith.addi %mul3A_868, %get3A_867 : vector<16xi32>
        %swap3A_870 = arith.index_cast %select_n3A_827 : i32 to index
        %swap3A_871 = arith.index_cast %select_n3A_843 : i32 to index
        %swap3A_872 = arith.constant 0 : index
        %swap3A_873 = tpu.vector_load %arg6[%swap3A_870, %swap3A_871, %swap3A_872] {strides = array<i32>} : memref<14x4x128xi32, #tpu.memory_space<vmem>>, vector<1x1x16xi32>,
        %swap3A_874 = vector.shape_cast %swap3A_873 : vector<1x1x16xi32> to vector<16xi32>
        %swap3A_875 = vector.shape_cast %add3A_869 : vector<16xi32> to vector<1x1x16xi32>
        tpu.vector_store %arg6[%swap3A_870, %swap3A_871, %swap3A_872], %swap3A_875 {strides = array<i32>} : memref<14x4x128xi32, #tpu.memory_space<vmem>>, vector<1x1x16xi32>,
        %mul3A_876 = arith.constant 128 : i32
        %mul3A_877 = arith.muli %select_n3A_843, %mul3A_876 : i32
        %add3A_878 = arith.constant 16 : i32
        %add3A_879 = arith.addi %mul3A_877, %add3A_878 : i32
        %get3A_880 = arith.index_cast %add3A_853 : i32 to index
        %get3A_881 = arith.index_cast %add3A_879 : i32 to index
        %get3A_882 = tpu.vector_load %arg5[%get3A_880, %get3A_881] {strides = array<i32>} : memref<35x512xi32, #tpu.memory_space<vmem>>, vector<1x16xi32>,
        %get3A_883 = vector.shape_cast %get3A_882 : vector<1x16xi32> to vector<16xi32>
        %add3A_884 = arith.constant 1 : i32
        %add3A_885 = arith.addi %add3A_853, %add3A_884 : i32
        %get3A_886 = arith.index_cast %add3A_885 : i32 to index
        %get3A_887 = arith.index_cast %add3A_879 : i32 to index
        %get3A_888 = tpu.vector_load %arg5[%get3A_886, %get3A_887] {strides = array<i32>} : memref<35x512xi32, #tpu.memory_space<vmem>>, vector<1x16xi32>,
        %get3A_889 = vector.shape_cast %get3A_888 : vector<1x16xi32> to vector<16xi32>
        %mul3A_890 = arith.muli %get3A_883, %broadcast_in_dim3A_11 : vector<16xi32>
        %add3A_891 = arith.addi %mul3A_890, %get3A_889 : vector<16xi32>
        %swap3A_892 = arith.index_cast %select_n3A_827 : i32 to index
        %swap3A_893 = arith.index_cast %select_n3A_843 : i32 to index
        %swap3A_894 = arith.constant 16 : index
        %swap3A_895 = tpu.vector_load %arg6[%swap3A_892, %swap3A_893, %swap3A_894] {strides = array<i32>} : memref<14x4x128xi32, #tpu.memory_space<vmem>>, vector<1x1x16xi32>,
        %swap3A_896 = vector.shape_cast %swap3A_895 : vector<1x1x16xi32> to vector<16xi32>
        %swap3A_897 = vector.shape_cast %add3A_891 : vector<16xi32> to vector<1x1x16xi32>
        tpu.vector_store %arg6[%swap3A_892, %swap3A_893, %swap3A_894], %swap3A_897 {strides = array<i32>} : memref<14x4x128xi32, #tpu.memory_space<vmem>>, vector<1x1x16xi32>,
        %mul3A_898 = arith.constant 128 : i32
        %mul3A_899 = arith.muli %select_n3A_843, %mul3A_898 : i32
        %add3A_900 = arith.constant 32 : i32
        %add3A_901 = arith.addi %mul3A_899, %add3A_900 : i32
        %get3A_902 = arith.index_cast %add3A_853 : i32 to index
        %get3A_903 = arith.index_cast %add3A_901 : i32 to index
        %get3A_904 = tpu.vector_load %arg5[%get3A_902, %get3A_903] {strides = array<i32>} : memref<35x512xi32, #tpu.memory_space<vmem>>, vector<1x16xi32>,
        %get3A_905 = vector.shape_cast %get3A_904 : vector<1x16xi32> to vector<16xi32>
        %add3A_906 = arith.constant 1 : i32
        %add3A_907 = arith.addi %add3A_853, %add3A_906 : i32
        %get3A_908 = arith.index_cast %add3A_907 : i32 to index
        %get3A_909 = arith.index_cast %add3A_901 : i32 to index
        %get3A_910 = tpu.vector_load %arg5[%get3A_908, %get3A_909] {strides = array<i32>} : memref<35x512xi32, #tpu.memory_space<vmem>>, vector<1x16xi32>,
        %get3A_911 = vector.shape_cast %get3A_910 : vector<1x16xi32> to vector<16xi32>
        %mul3A_912 = arith.muli %get3A_905, %broadcast_in_dim3A_11 : vector<16xi32>
        %add3A_913 = arith.addi %mul3A_912, %get3A_911 : vector<16xi32>
        %swap3A_914 = arith.index_cast %select_n3A_827 : i32 to index
        %swap3A_915 = arith.index_cast %select_n3A_843 : i32 to index
        %swap3A_916 = arith.constant 32 : index
        %swap3A_917 = tpu.vector_load %arg6[%swap3A_914, %swap3A_915, %swap3A_916] {strides = array<i32>} : memref<14x4x128xi32, #tpu.memory_space<vmem>>, vector<1x1x16xi32>,
        %swap3A_918 = vector.shape_cast %swap3A_917 : vector<1x1x16xi32> to vector<16xi32>
        %swap3A_919 = vector.shape_cast %add3A_913 : vector<16xi32> to vector<1x1x16xi32>
        tpu.vector_store %arg6[%swap3A_914, %swap3A_915, %swap3A_916], %swap3A_919 {strides = array<i32>} : memref<14x4x128xi32, #tpu.memory_space<vmem>>, vector<1x1x16xi32>,
        %mul3A_920 = arith.constant 128 : i32
        %mul3A_921 = arith.muli %select_n3A_843, %mul3A_920 : i32
        %add3A_922 = arith.constant 48 : i32
        %add3A_923 = arith.addi %mul3A_921, %add3A_922 : i32
        %get3A_924 = arith.index_cast %add3A_853 : i32 to index
        %get3A_925 = arith.index_cast %add3A_923 : i32 to index
        %get3A_926 = tpu.vector_load %arg5[%get3A_924, %get3A_925] {strides = array<i32>} : memref<35x512xi32, #tpu.memory_space<vmem>>, vector<1x16xi32>,
        %get3A_927 = vector.shape_cast %get3A_926 : vector<1x16xi32> to vector<16xi32>
        %add3A_928 = arith.constant 1 : i32
        %add3A_929 = arith.addi %add3A_853, %add3A_928 : i32
        %get3A_930 = arith.index_cast %add3A_929 : i32 to index
        %get3A_931 = arith.index_cast %add3A_923 : i32 to index
        %get3A_932 = tpu.vector_load %arg5[%get3A_930, %get3A_931] {strides = array<i32>} : memref<35x512xi32, #tpu.memory_space<vmem>>, vector<1x16xi32>,
        %get3A_933 = vector.shape_cast %get3A_932 : vector<1x16xi32> to vector<16xi32>
        %mul3A_934 = arith.muli %get3A_927, %broadcast_in_dim3A_11 : vector<16xi32>
        %add3A_935 = arith.addi %mul3A_934, %get3A_933 : vector<16xi32>
        %swap3A_936 = arith.index_cast %select_n3A_827 : i32 to index
        %swap3A_937 = arith.index_cast %select_n3A_843 : i32 to index
        %swap3A_938 = arith.constant 48 : index
        %swap3A_939 = tpu.vector_load %arg6[%swap3A_936, %swap3A_937, %swap3A_938] {strides = array<i32>} : memref<14x4x128xi32, #tpu.memory_space<vmem>>, vector<1x1x16xi32>,
        %swap3A_940 = vector.shape_cast %swap3A_939 : vector<1x1x16xi32> to vector<16xi32>
        %swap3A_941 = vector.shape_cast %add3A_935 : vector<16xi32> to vector<1x1x16xi32>
        tpu.vector_store %arg6[%swap3A_936, %swap3A_937, %swap3A_938], %swap3A_941 {strides = array<i32>} : memref<14x4x128xi32, #tpu.memory_space<vmem>>, vector<1x1x16xi32>,
        %mul3A_942 = arith.constant 128 : i32
        %mul3A_943 = arith.muli %select_n3A_843, %mul3A_942 : i32
        %add3A_944 = arith.constant 64 : i32
        %add3A_945 = arith.addi %mul3A_943, %add3A_944 : i32
        %get3A_946 = arith.index_cast %add3A_853 : i32 to index
        %get3A_947 = arith.index_cast %add3A_945 : i32 to index
        %get3A_948 = tpu.vector_load %arg5[%get3A_946, %get3A_947] {strides = array<i32>} : memref<35x512xi32, #tpu.memory_space<vmem>>, vector<1x16xi32>,
        %get3A_949 = vector.shape_cast %get3A_948 : vector<1x16xi32> to vector<16xi32>
        %add3A_950 = arith.constant 1 : i32
        %add3A_951 = arith.addi %add3A_853, %add3A_950 : i32
        %get3A_952 = arith.index_cast %add3A_951 : i32 to index
        %get3A_953 = arith.index_cast %add3A_945 : i32 to index
        %get3A_954 = tpu.vector_load %arg5[%get3A_952, %get3A_953] {strides = array<i32>} : memref<35x512xi32, #tpu.memory_space<vmem>>, vector<1x16xi32>,
        %get3A_955 = vector.shape_cast %get3A_954 : vector<1x16xi32> to vector<16xi32>
        %mul3A_956 = arith.muli %get3A_949, %broadcast_in_dim3A_11 : vector<16xi32>
        %add3A_957 = arith.addi %mul3A_956, %get3A_955 : vector<16xi32>
        %swap3A_958 = arith.index_cast %select_n3A_827 : i32 to index
        %swap3A_959 = arith.index_cast %select_n3A_843 : i32 to index
        %swap3A_960 = arith.constant 64 : index
        %swap3A_961 = tpu.vector_load %arg6[%swap3A_958, %swap3A_959, %swap3A_960] {strides = array<i32>} : memref<14x4x128xi32, #tpu.memory_space<vmem>>, vector<1x1x16xi32>,
        %swap3A_962 = vector.shape_cast %swap3A_961 : vector<1x1x16xi32> to vector<16xi32>
        %swap3A_963 = vector.shape_cast %add3A_957 : vector<16xi32> to vector<1x1x16xi32>
        tpu.vector_store %arg6[%swap3A_958, %swap3A_959, %swap3A_960], %swap3A_963 {strides = array<i32>} : memref<14x4x128xi32, #tpu.memory_space<vmem>>, vector<1x1x16xi32>,
        %mul3A_964 = arith.constant 128 : i32
        %mul3A_965 = arith.muli %select_n3A_843, %mul3A_964 : i32
        %add3A_966 = arith.constant 80 : i32
        %add3A_967 = arith.addi %mul3A_965, %add3A_966 : i32
        %get3A_968 = arith.index_cast %add3A_853 : i32 to index
        %get3A_969 = arith.index_cast %add3A_967 : i32 to index
        %get3A_970 = tpu.vector_load %arg5[%get3A_968, %get3A_969] {strides = array<i32>} : memref<35x512xi32, #tpu.memory_space<vmem>>, vector<1x16xi32>,
        %get3A_971 = vector.shape_cast %get3A_970 : vector<1x16xi32> to vector<16xi32>
        %add3A_972 = arith.constant 1 : i32
        %add3A_973 = arith.addi %add3A_853, %add3A_972 : i32
        %get3A_974 = arith.index_cast %add3A_973 : i32 to index
        %get3A_975 = arith.index_cast %add3A_967 : i32 to index
        %get3A_976 = tpu.vector_load %arg5[%get3A_974, %get3A_975] {strides = array<i32>} : memref<35x512xi32, #tpu.memory_space<vmem>>, vector<1x16xi32>,
        %get3A_977 = vector.shape_cast %get3A_976 : vector<1x16xi32> to vector<16xi32>
        %mul3A_978 = arith.muli %get3A_971, %broadcast_in_dim3A_11 : vector<16xi32>
        %add3A_979 = arith.addi %mul3A_978, %get3A_977 : vector<16xi32>
        %swap3A_980 = arith.index_cast %select_n3A_827 : i32 to index
        %swap3A_981 = arith.index_cast %select_n3A_843 : i32 to index
        %swap3A_982 = arith.constant 80 : index
        %swap3A_983 = tpu.vector_load %arg6[%swap3A_980, %swap3A_981, %swap3A_982] {strides = array<i32>} : memref<14x4x128xi32, #tpu.memory_space<vmem>>, vector<1x1x16xi32>,
        %swap3A_984 = vector.shape_cast %swap3A_983 : vector<1x1x16xi32> to vector<16xi32>
        %swap3A_985 = vector.shape_cast %add3A_979 : vector<16xi32> to vector<1x1x16xi32>
        tpu.vector_store %arg6[%swap3A_980, %swap3A_981, %swap3A_982], %swap3A_985 {strides = array<i32>} : memref<14x4x128xi32, #tpu.memory_space<vmem>>, vector<1x1x16xi32>,
        %mul3A_986 = arith.constant 128 : i32
        %mul3A_987 = arith.muli %select_n3A_843, %mul3A_986 : i32
        %add3A_988 = arith.constant 96 : i32
        %add3A_989 = arith.addi %mul3A_987, %add3A_988 : i32
        %get3A_990 = arith.index_cast %add3A_853 : i32 to index
        %get3A_991 = arith.index_cast %add3A_989 : i32 to index
        %get3A_992 = tpu.vector_load %arg5[%get3A_990, %get3A_991] {strides = array<i32>} : memref<35x512xi32, #tpu.memory_space<vmem>>, vector<1x16xi32>,
        %get3A_993 = vector.shape_cast %get3A_992 : vector<1x16xi32> to vector<16xi32>
        %add3A_994 = arith.constant 1 : i32
        %add3A_995 = arith.addi %add3A_853, %add3A_994 : i32
        %get3A_996 = arith.index_cast %add3A_995 : i32 to index
        %get3A_997 = arith.index_cast %add3A_989 : i32 to index
        %get3A_998 = tpu.vector_load %arg5[%get3A_996, %get3A_997] {strides = array<i32>} : memref<35x512xi32, #tpu.memory_space<vmem>>, vector<1x16xi32>,
        %get3A_999 = vector.shape_cast %get3A_998 : vector<1x16xi32> to vector<16xi32>
        %mul3A_1000 = arith.muli %get3A_993, %broadcast_in_dim3A_11 : vector<16xi32>
        %add3A_1001 = arith.addi %mul3A_1000, %get3A_999 : vector<16xi32>
        %swap3A_1002 = arith.index_cast %select_n3A_827 : i32 to index
        %swap3A_1003 = arith.index_cast %select_n3A_843 : i32 to index
        %swap3A_1004 = arith.constant 96 : index
        %swap3A_1005 = tpu.vector_load %arg6[%swap3A_1002, %swap3A_1003, %swap3A_1004] {strides = array<i32>} : memref<14x4x128xi32, #tpu.memory_space<vmem>>, vector<1x1x16xi32>,
        %swap3A_1006 = vector.shape_cast %swap3A_1005 : vector<1x1x16xi32> to vector<16xi32>
        %swap3A_1007 = vector.shape_cast %add3A_1001 : vector<16xi32> to vector<1x1x16xi32>
        tpu.vector_store %arg6[%swap3A_1002, %swap3A_1003, %swap3A_1004], %swap3A_1007 {strides = array<i32>} : memref<14x4x128xi32, #tpu.memory_space<vmem>>, vector<1x1x16xi32>,
        %mul3A_1008 = arith.constant 128 : i32
        %mul3A_1009 = arith.muli %select_n3A_843, %mul3A_1008 : i32
        %add3A_1010 = arith.constant 112 : i32
        %add3A_1011 = arith.addi %mul3A_1009, %add3A_1010 : i32
        %get3A_1012 = arith.index_cast %add3A_853 : i32 to index
        %get3A_1013 = arith.index_cast %add3A_1011 : i32 to index
        %get3A_1014 = tpu.vector_load %arg5[%get3A_1012, %get3A_1013] {strides = array<i32>} : memref<35x512xi32, #tpu.memory_space<vmem>>, vector<1x16xi32>,
        %get3A_1015 = vector.shape_cast %get3A_1014 : vector<1x16xi32> to vector<16xi32>
        %add3A_1016 = arith.constant 1 : i32
        %add3A_1017 = arith.addi %add3A_853, %add3A_1016 : i32
        %get3A_1018 = arith.index_cast %add3A_1017 : i32 to index
        %get3A_1019 = arith.index_cast %add3A_1011 : i32 to index
        %get3A_1020 = tpu.vector_load %arg5[%get3A_1018, %get3A_1019] {strides = array<i32>} : memref<35x512xi32, #tpu.memory_space<vmem>>, vector<1x16xi32>,
        %get3A_1021 = vector.shape_cast %get3A_1020 : vector<1x16xi32> to vector<16xi32>
        %mul3A_1022 = arith.muli %get3A_1015, %broadcast_in_dim3A_11 : vector<16xi32>
        %add3A_1023 = arith.addi %mul3A_1022, %get3A_1021 : vector<16xi32>
        %swap3A_1024 = arith.index_cast %select_n3A_827 : i32 to index
        %swap3A_1025 = arith.index_cast %select_n3A_843 : i32 to index
        %swap3A_1026 = arith.constant 112 : index
        %swap3A_1027 = tpu.vector_load %arg6[%swap3A_1024, %swap3A_1025, %swap3A_1026] {strides = array<i32>} : memref<14x4x128xi32, #tpu.memory_space<vmem>>, vector<1x1x16xi32>,
        %swap3A_1028 = vector.shape_cast %swap3A_1027 : vector<1x1x16xi32> to vector<16xi32>
        %swap3A_1029 = vector.shape_cast %add3A_1023 : vector<16xi32> to vector<1x1x16xi32>
        tpu.vector_store %arg6[%swap3A_1024, %swap3A_1025, %swap3A_1026], %swap3A_1029 {strides = array<i32>} : memref<14x4x128xi32, #tpu.memory_space<vmem>>, vector<1x1x16xi32>,
        %ge3A = arith.constant 1 : i32
        %ge3A_1030 = arith.cmpi sge, %add3A_603, %ge3A : i32
        %convert_element_type3A_1031 = arith.extui %ge3A_1030 : i1 to i32
        %cond3A_1032 = arith.constant 0 : i32
        %cond3A_1033 = arith.cmpi ne, %convert_element_type3A_1031, %cond3A_1032 : i32
        scf.if %cond3A_1033 {
          %dma_wait3A_1080 = arith.constant 0 : i32
          %dma_wait3A_1081 = arith.constant 0 : i32
          %dma_wait3A_1082 = tpu.memref_slice %arg4[%dma_wait3A_1080, %dma_wait3A_1081] : memref<16384x1792xf32, #tpu.memory_space<hbm>> -> memref<128x128xf32, #tpu.memory_space<hbm>>
          %dma_wait3A_1083 = arith.constant 0 : i32
          %dma_wait3A_1084 = arith.constant 0 : i32
          %dma_wait3A_1085 = tpu.memref_slice %arg4[%dma_wait3A_1083, %dma_wait3A_1084] : memref<16384x1792xf32, #tpu.memory_space<hbm>> -> memref<128x128xf32, #tpu.memory_space<hbm>>
          tpu.wait_dma2 semaphore(%arg16 : memref<!tpu.dma_semaphore, #tpu.memory_space<semaphore_mem>>) src(%arg8 : memref<128x128xf32, #tpu.memory_space<vmem>>) dst(%dma_wait3A_1085 : memref<128x128xf32, #tpu.memory_space<hbm>>)
        } else {
        }
        %jit3A_1034 = arith.constant 4 : i32
        %div3A_1035 = arith.divsi %sub3A_615, %jit3A_1034 : i32
        %sign3A_1036 = arith.constant 0 : i32
        %sign3A_1037 = arith.cmpi sgt, %sub3A_615, %sign3A_1036 : i32
        %sign3A_1038 = arith.extui %sign3A_1037 : i1 to i32
        %sign3A_1039 = arith.constant 0 : i32
        %sign3A_1040 = arith.cmpi slt, %sub3A_615, %sign3A_1039 : i32
        %sign3A_1041 = arith.extui %sign3A_1040 : i1 to i32
        %sign3A_1042 = arith.subi %sign3A_1038, %sign3A_1041 : i32
        %sign3A_1043 = arith.constant 0 : i32
        %sign3A_1044 = arith.cmpi sgt, %jit3A_1034, %sign3A_1043 : i32
        %sign3A_1045 = arith.extui %sign3A_1044 : i1 to i32
        %sign3A_1046 = arith.constant 0 : i32
        %sign3A_1047 = arith.cmpi slt, %jit3A_1034, %sign3A_1046 : i32
        %sign3A_1048 = arith.extui %sign3A_1047 : i1 to i32
        %sign3A_1049 = arith.subi %sign3A_1045, %sign3A_1048 : i32
        %ne3A_1050 = arith.cmpi ne, %sign3A_1042, %sign3A_1049 : i32
        %rem3A_1051 = arith.remsi %sub3A_615, %jit3A_1034 : i32
        %ne3A_1052 = arith.constant 0 : i32
        %ne3A_1053 = arith.cmpi ne, %rem3A_1051, %ne3A_1052 : i32
        %and3A_1054 = arith.andi %ne3A_1050, %ne3A_1053 : i1
        %sub3A_1055 = arith.constant 1 : i32
        %sub3A_1056 = arith.subi %div3A_1035, %sub3A_1055 : i32
        %select_n3A_1057 = arith.select %and3A_1054, %sub3A_1056, %div3A_1035 : i32
        %jit3A_1058 = arith.constant 4 : i32
        %eq3A_1059 = arith.constant 0 : i32
        %eq3A_1060 = arith.cmpi eq, %jit3A_1058, %eq3A_1059 : i32
        %jit3A_1061 = arith.constant 1 : i32
        %select_n3A_1062 = arith.select %eq3A_1060, %jit3A_1061, %jit3A_1058 : i32
        %rem3A_1063 = arith.remsi %sub3A_615, %select_n3A_1062 : i32
        %ne3A_1064 = arith.constant 0 : i32
        %ne3A_1065 = arith.cmpi ne, %rem3A_1063, %ne3A_1064 : i32
        %lt3A_1066 = arith.constant 0 : i32
        %lt3A_1067 = arith.cmpi slt, %rem3A_1063, %lt3A_1066 : i32
        %lt3A_1068 = arith.constant 0 : i32
        %lt3A_1069 = arith.cmpi slt, %select_n3A_1062, %lt3A_1068 : i32
        %ne3A_1070 = arith.xori %lt3A_1067, %lt3A_1069 : i1
        %and3A_1071 = arith.andi %ne3A_1070, %ne3A_1065 : i1
        %add3A_1072 = arith.addi %rem3A_1063, %select_n3A_1062 : i32
        %select_n3A_1073 = arith.select %and3A_1071, %add3A_1072, %rem3A_1063 : i32
        %dma_start3A_1074 = arith.constant 0 : i32
        %dma_start3A_1075 = tpu.memref_slice %arg6[%select_n3A_1057, %select_n3A_1073, %dma_start3A_1074] : memref<14x4x128xi32, #tpu.memory_space<vmem>> -> memref<1x1x128xi32, #tpu.memory_space<vmem>>
        %dma_start3A_1076 = tpu.memref_squeeze %dma_start3A_1075 : memref<1x1x128xi32, #tpu.memory_space<vmem>> -> memref<128xi32, #tpu.memory_space<vmem>>
        %dma_start3A_1077 = arith.constant 0 : i32
        %dma_start3A_1078 = arith.constant 0 : i32
        %dma_start3A_1079 = tpu.memref_slice %arg7[%dma_start3A_1077, %dma_start3A_1078] : memref<49x128xf32, #tpu.memory_space<vmem_shared>> -> memref<49x128xf32, #tpu.memory_space<vmem_shared>>
        tpu.enqueue_indirect_dma source(%dma_start3A_1079 : memref<49x128xf32, #tpu.memory_space<vmem_shared>>) target(%arg8 : memref<128x128xf32, #tpu.memory_space<vmem>>) offsets(%dma_start3A_1076 : memref<128xi32, #tpu.memory_space<vmem>>) semaphore(%arg12 : memref<!tpu.dma_semaphore, #tpu.memory_space<semaphore_mem>>)
      } else {
      }
      %jit3A_621 = arith.constant 4 : i32
      %eq3A_622 = arith.constant 0 : i32
      %eq3A_623 = arith.cmpi eq, %jit3A_621, %eq3A_622 : i32
      %jit3A_624 = arith.constant 1 : i32
      %select_n3A_625 = arith.select %eq3A_623, %jit3A_624, %jit3A_621 : i32
      %rem3A_626 = arith.remsi %add3A_603, %select_n3A_625 : i32
      %ne3A_627 = arith.constant 0 : i32
      %ne3A_628 = arith.cmpi ne, %rem3A_626, %ne3A_627 : i32
      %lt3A_629 = arith.constant 0 : i32
      %lt3A_630 = arith.cmpi slt, %rem3A_626, %lt3A_629 : i32
      %lt3A_631 = arith.constant 0 : i32
      %lt3A_632 = arith.cmpi slt, %select_n3A_625, %lt3A_631 : i32
      %ne3A_633 = arith.xori %lt3A_630, %lt3A_632 : i1
      %and3A_634 = arith.andi %ne3A_633, %ne3A_628 : i1
      %add3A_635 = arith.addi %rem3A_626, %select_n3A_625 : i32
      %select_n3A_636 = arith.select %and3A_634, %add3A_635, %rem3A_626 : i32
      %mul3A_637 = arith.constant 128 : i32
      %mul3A_638 = arith.muli %select_n3A_636, %mul3A_637 : i32
      %add3A_639 = arith.addi %mul3A_2, %mul3A_638 : i32
      %jit3A_640 = arith.constant 4 : i32
      %div3A_641 = arith.divsi %add3A_603, %jit3A_640 : i32
      %sign3A_642 = arith.constant 0 : i32
      %sign3A_643 = arith.cmpi sgt, %add3A_603, %sign3A_642 : i32
      %sign3A_644 = arith.extui %sign3A_643 : i1 to i32
      %sign3A_645 = arith.constant 0 : i32
      %sign3A_646 = arith.cmpi slt, %add3A_603, %sign3A_645 : i32
      %sign3A_647 = arith.extui %sign3A_646 : i1 to i32
      %sign3A_648 = arith.subi %sign3A_644, %sign3A_647 : i32
      %sign3A_649 = arith.constant 0 : i32
      %sign3A_650 = arith.cmpi sgt, %jit3A_640, %sign3A_649 : i32
      %sign3A_651 = arith.extui %sign3A_650 : i1 to i32
      %sign3A_652 = arith.constant 0 : i32
      %sign3A_653 = arith.cmpi slt, %jit3A_640, %sign3A_652 : i32
      %sign3A_654 = arith.extui %sign3A_653 : i1 to i32
      %sign3A_655 = arith.subi %sign3A_651, %sign3A_654 : i32
      %ne3A_656 = arith.cmpi ne, %sign3A_648, %sign3A_655 : i32
      %rem3A_657 = arith.remsi %add3A_603, %jit3A_640 : i32
      %ne3A_658 = arith.constant 0 : i32
      %ne3A_659 = arith.cmpi ne, %rem3A_657, %ne3A_658 : i32
      %and3A_660 = arith.andi %ne3A_656, %ne3A_659 : i1
      %sub3A_661 = arith.constant 1 : i32
      %sub3A_662 = arith.subi %div3A_641, %sub3A_661 : i32
      %select_n3A_663 = arith.select %and3A_660, %sub3A_662, %div3A_641 : i32
      %mul3A_664 = arith.constant 128 : i32
      %mul3A_665 = arith.muli %select_n3A_663, %mul3A_664 : i32
      %dma_start3A_666 = tpu.memref_slice %arg4[%add3A_639, %mul3A_665] : memref<16384x1792xf32, #tpu.memory_space<hbm>> -> memref<128x128xf32, #tpu.memory_space<hbm>>
      %dma_start3A_667 = tpu.memref_slice %arg4[%add3A_639, %mul3A_665] : memref<16384x1792xf32, #tpu.memory_space<hbm>> -> memref<128x128xf32, #tpu.memory_space<hbm>>
      tpu.enqueue_dma source(%arg9 : memref<128x128xf32, #tpu.memory_space<vmem>>) target(%dma_start3A_667 : memref<128x128xf32, #tpu.memory_space<hbm>>) target_semaphore(%arg17 : memref<!tpu.dma_semaphore, #tpu.memory_space<semaphore_mem>>)
      %mul3A_668 = arith.constant 4 : i32
      %mul3A_669 = arith.muli %scan3A_543, %mul3A_668 : i32
      %add3A_670 = arith.constant 2 : i32
      %add3A_671 = arith.addi %mul3A_669, %add3A_670 : i32
      %dma_wait3A_672 = arith.constant 0 : i32
      %dma_wait3A_673 = arith.constant 0 : i32
      %dma_wait3A_674 = arith.constant 0 : i32
      %dma_wait3A_675 = tpu.memref_slice %arg6[%dma_wait3A_672, %dma_wait3A_673, %dma_wait3A_674] : memref<14x4x128xi32, #tpu.memory_space<vmem>> -> memref<1x1x128xi32, #tpu.memory_space<vmem>>
      %dma_wait3A_676 = tpu.memref_squeeze %dma_wait3A_675 : memref<1x1x128xi32, #tpu.memory_space<vmem>> -> memref<128xi32, #tpu.memory_space<vmem>>
      %dma_wait3A_677 = arith.constant 0 : i32
      %dma_wait3A_678 = arith.constant 0 : i32
      %dma_wait3A_679 = tpu.memref_slice %arg7[%dma_wait3A_677, %dma_wait3A_678] : memref<49x128xf32, #tpu.memory_space<vmem_shared>> -> memref<49x128xf32, #tpu.memory_space<vmem_shared>>
      tpu.wait_indirect_dma semaphore(%arg14 : memref<!tpu.dma_semaphore, #tpu.memory_space<semaphore_mem>>) src(%dma_wait3A_679 : memref<49x128xf32, #tpu.memory_space<vmem_shared>>) dst(%arg10 : memref<128x128xf32, #tpu.memory_space<vmem>>)
      %add3A_680 = arith.constant 4 : i32
      %add3A_681 = arith.addi %add3A_671, %add3A_680 : i32
      %sub3A_682 = arith.constant 1 : i32
      %sub3A_683 = arith.subi %add3A_681, %sub3A_682 : i32
      %lt3A_684 = arith.constant 56 : i32
      %lt3A_685 = arith.cmpi slt, %sub3A_683, %lt3A_684 : i32
      %convert_element_type3A_686 = arith.extui %lt3A_685 : i1 to i32
      %cond3A_687 = arith.constant 0 : i32
      %cond3A_688 = arith.cmpi ne, %convert_element_type3A_686, %cond3A_687 : i32
      scf.if %cond3A_688 {
        %jit3A_804 = arith.constant 4 : i32
        %div3A_805 = arith.divsi %sub3A_683, %jit3A_804 : i32
        %sign3A_806 = arith.constant 0 : i32
        %sign3A_807 = arith.cmpi sgt, %sub3A_683, %sign3A_806 : i32
        %sign3A_808 = arith.extui %sign3A_807 : i1 to i32
        %sign3A_809 = arith.constant 0 : i32
        %sign3A_810 = arith.cmpi slt, %sub3A_683, %sign3A_809 : i32
        %sign3A_811 = arith.extui %sign3A_810 : i1 to i32
        %sign3A_812 = arith.subi %sign3A_808, %sign3A_811 : i32
        %sign3A_813 = arith.constant 0 : i32
        %sign3A_814 = arith.cmpi sgt, %jit3A_804, %sign3A_813 : i32
        %sign3A_815 = arith.extui %sign3A_814 : i1 to i32
        %sign3A_816 = arith.constant 0 : i32
        %sign3A_817 = arith.cmpi slt, %jit3A_804, %sign3A_816 : i32
        %sign3A_818 = arith.extui %sign3A_817 : i1 to i32
        %sign3A_819 = arith.subi %sign3A_815, %sign3A_818 : i32
        %ne3A_820 = arith.cmpi ne, %sign3A_812, %sign3A_819 : i32
        %rem3A_821 = arith.remsi %sub3A_683, %jit3A_804 : i32
        %ne3A_822 = arith.constant 0 : i32
        %ne3A_823 = arith.cmpi ne, %rem3A_821, %ne3A_822 : i32
        %and3A_824 = arith.andi %ne3A_820, %ne3A_823 : i1
        %sub3A_825 = arith.constant 1 : i32
        %sub3A_826 = arith.subi %div3A_805, %sub3A_825 : i32
        %select_n3A_827 = arith.select %and3A_824, %sub3A_826, %div3A_805 : i32
        %jit3A_828 = arith.constant 4 : i32
        %eq3A_829 = arith.constant 0 : i32
        %eq3A_830 = arith.cmpi eq, %jit3A_828, %eq3A_829 : i32
        %jit3A_831 = arith.constant 1 : i32
        %select_n3A_832 = arith.select %eq3A_830, %jit3A_831, %jit3A_828 : i32
        %rem3A_833 = arith.remsi %sub3A_683, %select_n3A_832 : i32
        %ne3A_834 = arith.constant 0 : i32
        %ne3A_835 = arith.cmpi ne, %rem3A_833, %ne3A_834 : i32
        %lt3A_836 = arith.constant 0 : i32
        %lt3A_837 = arith.cmpi slt, %rem3A_833, %lt3A_836 : i32
        %lt3A_838 = arith.constant 0 : i32
        %lt3A_839 = arith.cmpi slt, %select_n3A_832, %lt3A_838 : i32
        %ne3A_840 = arith.xori %lt3A_837, %lt3A_839 : i1
        %and3A_841 = arith.andi %ne3A_840, %ne3A_835 : i1
        %add3A_842 = arith.addi %rem3A_833, %select_n3A_832 : i32
        %select_n3A_843 = arith.select %and3A_841, %add3A_842, %rem3A_833 : i32
        %shift_right_arithmetic3A = arith.constant 1 : i32
        %shift_right_arithmetic3A_844 = arith.shrsi %select_n3A_827, %shift_right_arithmetic3A : i32
        %mul3A_845 = arith.constant 5 : i32
        %mul3A_846 = arith.muli %shift_right_arithmetic3A_844, %mul3A_845 : i32
        %add3A_847 = arith.constant 1 : i32
        %add3A_848 = arith.addi %mul3A_846, %add3A_847 : i32
        %and3A_849 = arith.constant 1 : i32
        %and3A_850 = arith.andi %select_n3A_827, %and3A_849 : i32
        %mul3A_851 = arith.constant 2 : i32
        %mul3A_852 = arith.muli %mul3A_851, %and3A_850 : i32
        %add3A_853 = arith.addi %add3A_848, %mul3A_852 : i32
        %mul3A_854 = arith.constant 128 : i32
        %mul3A_855 = arith.muli %select_n3A_843, %mul3A_854 : i32
        %add3A_856 = arith.constant 0 : i32
        %add3A_857 = arith.addi %mul3A_855, %add3A_856 : i32
        %get3A_858 = arith.index_cast %add3A_853 : i32 to index
        %get3A_859 = arith.index_cast %add3A_857 : i32 to index
        %get3A_860 = tpu.vector_load %arg5[%get3A_858, %get3A_859] {strides = array<i32>} : memref<35x512xi32, #tpu.memory_space<vmem>>, vector<1x16xi32>,
        %get3A_861 = vector.shape_cast %get3A_860 : vector<1x16xi32> to vector<16xi32>
        %add3A_862 = arith.constant 1 : i32
        %add3A_863 = arith.addi %add3A_853, %add3A_862 : i32
        %get3A_864 = arith.index_cast %add3A_863 : i32 to index
        %get3A_865 = arith.index_cast %add3A_857 : i32 to index
        %get3A_866 = tpu.vector_load %arg5[%get3A_864, %get3A_865] {strides = array<i32>} : memref<35x512xi32, #tpu.memory_space<vmem>>, vector<1x16xi32>,
        %get3A_867 = vector.shape_cast %get3A_866 : vector<1x16xi32> to vector<16xi32>
        %mul3A_868 = arith.muli %get3A_861, %broadcast_in_dim3A_11 : vector<16xi32>
        %add3A_869 = arith.addi %mul3A_868, %get3A_867 : vector<16xi32>
        %swap3A_870 = arith.index_cast %select_n3A_827 : i32 to index
        %swap3A_871 = arith.index_cast %select_n3A_843 : i32 to index
        %swap3A_872 = arith.constant 0 : index
        %swap3A_873 = tpu.vector_load %arg6[%swap3A_870, %swap3A_871, %swap3A_872] {strides = array<i32>} : memref<14x4x128xi32, #tpu.memory_space<vmem>>, vector<1x1x16xi32>,
        %swap3A_874 = vector.shape_cast %swap3A_873 : vector<1x1x16xi32> to vector<16xi32>
        %swap3A_875 = vector.shape_cast %add3A_869 : vector<16xi32> to vector<1x1x16xi32>
        tpu.vector_store %arg6[%swap3A_870, %swap3A_871, %swap3A_872], %swap3A_875 {strides = array<i32>} : memref<14x4x128xi32, #tpu.memory_space<vmem>>, vector<1x1x16xi32>,
        %mul3A_876 = arith.constant 128 : i32
        %mul3A_877 = arith.muli %select_n3A_843, %mul3A_876 : i32
        %add3A_878 = arith.constant 16 : i32
        %add3A_879 = arith.addi %mul3A_877, %add3A_878 : i32
        %get3A_880 = arith.index_cast %add3A_853 : i32 to index
        %get3A_881 = arith.index_cast %add3A_879 : i32 to index
        %get3A_882 = tpu.vector_load %arg5[%get3A_880, %get3A_881] {strides = array<i32>} : memref<35x512xi32, #tpu.memory_space<vmem>>, vector<1x16xi32>,
        %get3A_883 = vector.shape_cast %get3A_882 : vector<1x16xi32> to vector<16xi32>
        %add3A_884 = arith.constant 1 : i32
        %add3A_885 = arith.addi %add3A_853, %add3A_884 : i32
        %get3A_886 = arith.index_cast %add3A_885 : i32 to index
        %get3A_887 = arith.index_cast %add3A_879 : i32 to index
        %get3A_888 = tpu.vector_load %arg5[%get3A_886, %get3A_887] {strides = array<i32>} : memref<35x512xi32, #tpu.memory_space<vmem>>, vector<1x16xi32>,
        %get3A_889 = vector.shape_cast %get3A_888 : vector<1x16xi32> to vector<16xi32>
        %mul3A_890 = arith.muli %get3A_883, %broadcast_in_dim3A_11 : vector<16xi32>
        %add3A_891 = arith.addi %mul3A_890, %get3A_889 : vector<16xi32>
        %swap3A_892 = arith.index_cast %select_n3A_827 : i32 to index
        %swap3A_893 = arith.index_cast %select_n3A_843 : i32 to index
        %swap3A_894 = arith.constant 16 : index
        %swap3A_895 = tpu.vector_load %arg6[%swap3A_892, %swap3A_893, %swap3A_894] {strides = array<i32>} : memref<14x4x128xi32, #tpu.memory_space<vmem>>, vector<1x1x16xi32>,
        %swap3A_896 = vector.shape_cast %swap3A_895 : vector<1x1x16xi32> to vector<16xi32>
        %swap3A_897 = vector.shape_cast %add3A_891 : vector<16xi32> to vector<1x1x16xi32>
        tpu.vector_store %arg6[%swap3A_892, %swap3A_893, %swap3A_894], %swap3A_897 {strides = array<i32>} : memref<14x4x128xi32, #tpu.memory_space<vmem>>, vector<1x1x16xi32>,
        %mul3A_898 = arith.constant 128 : i32
        %mul3A_899 = arith.muli %select_n3A_843, %mul3A_898 : i32
        %add3A_900 = arith.constant 32 : i32
        %add3A_901 = arith.addi %mul3A_899, %add3A_900 : i32
        %get3A_902 = arith.index_cast %add3A_853 : i32 to index
        %get3A_903 = arith.index_cast %add3A_901 : i32 to index
        %get3A_904 = tpu.vector_load %arg5[%get3A_902, %get3A_903] {strides = array<i32>} : memref<35x512xi32, #tpu.memory_space<vmem>>, vector<1x16xi32>,
        %get3A_905 = vector.shape_cast %get3A_904 : vector<1x16xi32> to vector<16xi32>
        %add3A_906 = arith.constant 1 : i32
        %add3A_907 = arith.addi %add3A_853, %add3A_906 : i32
        %get3A_908 = arith.index_cast %add3A_907 : i32 to index
        %get3A_909 = arith.index_cast %add3A_901 : i32 to index
        %get3A_910 = tpu.vector_load %arg5[%get3A_908, %get3A_909] {strides = array<i32>} : memref<35x512xi32, #tpu.memory_space<vmem>>, vector<1x16xi32>,
        %get3A_911 = vector.shape_cast %get3A_910 : vector<1x16xi32> to vector<16xi32>
        %mul3A_912 = arith.muli %get3A_905, %broadcast_in_dim3A_11 : vector<16xi32>
        %add3A_913 = arith.addi %mul3A_912, %get3A_911 : vector<16xi32>
        %swap3A_914 = arith.index_cast %select_n3A_827 : i32 to index
        %swap3A_915 = arith.index_cast %select_n3A_843 : i32 to index
        %swap3A_916 = arith.constant 32 : index
        %swap3A_917 = tpu.vector_load %arg6[%swap3A_914, %swap3A_915, %swap3A_916] {strides = array<i32>} : memref<14x4x128xi32, #tpu.memory_space<vmem>>, vector<1x1x16xi32>,
        %swap3A_918 = vector.shape_cast %swap3A_917 : vector<1x1x16xi32> to vector<16xi32>
        %swap3A_919 = vector.shape_cast %add3A_913 : vector<16xi32> to vector<1x1x16xi32>
        tpu.vector_store %arg6[%swap3A_914, %swap3A_915, %swap3A_916], %swap3A_919 {strides = array<i32>} : memref<14x4x128xi32, #tpu.memory_space<vmem>>, vector<1x1x16xi32>,
        %mul3A_920 = arith.constant 128 : i32
        %mul3A_921 = arith.muli %select_n3A_843, %mul3A_920 : i32
        %add3A_922 = arith.constant 48 : i32
        %add3A_923 = arith.addi %mul3A_921, %add3A_922 : i32
        %get3A_924 = arith.index_cast %add3A_853 : i32 to index
        %get3A_925 = arith.index_cast %add3A_923 : i32 to index
        %get3A_926 = tpu.vector_load %arg5[%get3A_924, %get3A_925] {strides = array<i32>} : memref<35x512xi32, #tpu.memory_space<vmem>>, vector<1x16xi32>,
        %get3A_927 = vector.shape_cast %get3A_926 : vector<1x16xi32> to vector<16xi32>
        %add3A_928 = arith.constant 1 : i32
        %add3A_929 = arith.addi %add3A_853, %add3A_928 : i32
        %get3A_930 = arith.index_cast %add3A_929 : i32 to index
        %get3A_931 = arith.index_cast %add3A_923 : i32 to index
        %get3A_932 = tpu.vector_load %arg5[%get3A_930, %get3A_931] {strides = array<i32>} : memref<35x512xi32, #tpu.memory_space<vmem>>, vector<1x16xi32>,
        %get3A_933 = vector.shape_cast %get3A_932 : vector<1x16xi32> to vector<16xi32>
        %mul3A_934 = arith.muli %get3A_927, %broadcast_in_dim3A_11 : vector<16xi32>
        %add3A_935 = arith.addi %mul3A_934, %get3A_933 : vector<16xi32>
        %swap3A_936 = arith.index_cast %select_n3A_827 : i32 to index
        %swap3A_937 = arith.index_cast %select_n3A_843 : i32 to index
        %swap3A_938 = arith.constant 48 : index
        %swap3A_939 = tpu.vector_load %arg6[%swap3A_936, %swap3A_937, %swap3A_938] {strides = array<i32>} : memref<14x4x128xi32, #tpu.memory_space<vmem>>, vector<1x1x16xi32>,
        %swap3A_940 = vector.shape_cast %swap3A_939 : vector<1x1x16xi32> to vector<16xi32>
        %swap3A_941 = vector.shape_cast %add3A_935 : vector<16xi32> to vector<1x1x16xi32>
        tpu.vector_store %arg6[%swap3A_936, %swap3A_937, %swap3A_938], %swap3A_941 {strides = array<i32>} : memref<14x4x128xi32, #tpu.memory_space<vmem>>, vector<1x1x16xi32>,
        %mul3A_942 = arith.constant 128 : i32
        %mul3A_943 = arith.muli %select_n3A_843, %mul3A_942 : i32
        %add3A_944 = arith.constant 64 : i32
        %add3A_945 = arith.addi %mul3A_943, %add3A_944 : i32
        %get3A_946 = arith.index_cast %add3A_853 : i32 to index
        %get3A_947 = arith.index_cast %add3A_945 : i32 to index
        %get3A_948 = tpu.vector_load %arg5[%get3A_946, %get3A_947] {strides = array<i32>} : memref<35x512xi32, #tpu.memory_space<vmem>>, vector<1x16xi32>,
        %get3A_949 = vector.shape_cast %get3A_948 : vector<1x16xi32> to vector<16xi32>
        %add3A_950 = arith.constant 1 : i32
        %add3A_951 = arith.addi %add3A_853, %add3A_950 : i32
        %get3A_952 = arith.index_cast %add3A_951 : i32 to index
        %get3A_953 = arith.index_cast %add3A_945 : i32 to index
        %get3A_954 = tpu.vector_load %arg5[%get3A_952, %get3A_953] {strides = array<i32>} : memref<35x512xi32, #tpu.memory_space<vmem>>, vector<1x16xi32>,
        %get3A_955 = vector.shape_cast %get3A_954 : vector<1x16xi32> to vector<16xi32>
        %mul3A_956 = arith.muli %get3A_949, %broadcast_in_dim3A_11 : vector<16xi32>
        %add3A_957 = arith.addi %mul3A_956, %get3A_955 : vector<16xi32>
        %swap3A_958 = arith.index_cast %select_n3A_827 : i32 to index
        %swap3A_959 = arith.index_cast %select_n3A_843 : i32 to index
        %swap3A_960 = arith.constant 64 : index
        %swap3A_961 = tpu.vector_load %arg6[%swap3A_958, %swap3A_959, %swap3A_960] {strides = array<i32>} : memref<14x4x128xi32, #tpu.memory_space<vmem>>, vector<1x1x16xi32>,
        %swap3A_962 = vector.shape_cast %swap3A_961 : vector<1x1x16xi32> to vector<16xi32>
        %swap3A_963 = vector.shape_cast %add3A_957 : vector<16xi32> to vector<1x1x16xi32>
        tpu.vector_store %arg6[%swap3A_958, %swap3A_959, %swap3A_960], %swap3A_963 {strides = array<i32>} : memref<14x4x128xi32, #tpu.memory_space<vmem>>, vector<1x1x16xi32>,
        %mul3A_964 = arith.constant 128 : i32
        %mul3A_965 = arith.muli %select_n3A_843, %mul3A_964 : i32
        %add3A_966 = arith.constant 80 : i32
        %add3A_967 = arith.addi %mul3A_965, %add3A_966 : i32
        %get3A_968 = arith.index_cast %add3A_853 : i32 to index
        %get3A_969 = arith.index_cast %add3A_967 : i32 to index
        %get3A_970 = tpu.vector_load %arg5[%get3A_968, %get3A_969] {strides = array<i32>} : memref<35x512xi32, #tpu.memory_space<vmem>>, vector<1x16xi32>,
        %get3A_971 = vector.shape_cast %get3A_970 : vector<1x16xi32> to vector<16xi32>
        %add3A_972 = arith.constant 1 : i32
        %add3A_973 = arith.addi %add3A_853, %add3A_972 : i32
        %get3A_974 = arith.index_cast %add3A_973 : i32 to index
        %get3A_975 = arith.index_cast %add3A_967 : i32 to index
        %get3A_976 = tpu.vector_load %arg5[%get3A_974, %get3A_975] {strides = array<i32>} : memref<35x512xi32, #tpu.memory_space<vmem>>, vector<1x16xi32>,
        %get3A_977 = vector.shape_cast %get3A_976 : vector<1x16xi32> to vector<16xi32>
        %mul3A_978 = arith.muli %get3A_971, %broadcast_in_dim3A_11 : vector<16xi32>
        %add3A_979 = arith.addi %mul3A_978, %get3A_977 : vector<16xi32>
        %swap3A_980 = arith.index_cast %select_n3A_827 : i32 to index
        %swap3A_981 = arith.index_cast %select_n3A_843 : i32 to index
        %swap3A_982 = arith.constant 80 : index
        %swap3A_983 = tpu.vector_load %arg6[%swap3A_980, %swap3A_981, %swap3A_982] {strides = array<i32>} : memref<14x4x128xi32, #tpu.memory_space<vmem>>, vector<1x1x16xi32>,
        %swap3A_984 = vector.shape_cast %swap3A_983 : vector<1x1x16xi32> to vector<16xi32>
        %swap3A_985 = vector.shape_cast %add3A_979 : vector<16xi32> to vector<1x1x16xi32>
        tpu.vector_store %arg6[%swap3A_980, %swap3A_981, %swap3A_982], %swap3A_985 {strides = array<i32>} : memref<14x4x128xi32, #tpu.memory_space<vmem>>, vector<1x1x16xi32>,
        %mul3A_986 = arith.constant 128 : i32
        %mul3A_987 = arith.muli %select_n3A_843, %mul3A_986 : i32
        %add3A_988 = arith.constant 96 : i32
        %add3A_989 = arith.addi %mul3A_987, %add3A_988 : i32
        %get3A_990 = arith.index_cast %add3A_853 : i32 to index
        %get3A_991 = arith.index_cast %add3A_989 : i32 to index
        %get3A_992 = tpu.vector_load %arg5[%get3A_990, %get3A_991] {strides = array<i32>} : memref<35x512xi32, #tpu.memory_space<vmem>>, vector<1x16xi32>,
        %get3A_993 = vector.shape_cast %get3A_992 : vector<1x16xi32> to vector<16xi32>
        %add3A_994 = arith.constant 1 : i32
        %add3A_995 = arith.addi %add3A_853, %add3A_994 : i32
        %get3A_996 = arith.index_cast %add3A_995 : i32 to index
        %get3A_997 = arith.index_cast %add3A_989 : i32 to index
        %get3A_998 = tpu.vector_load %arg5[%get3A_996, %get3A_997] {strides = array<i32>} : memref<35x512xi32, #tpu.memory_space<vmem>>, vector<1x16xi32>,
        %get3A_999 = vector.shape_cast %get3A_998 : vector<1x16xi32> to vector<16xi32>
        %mul3A_1000 = arith.muli %get3A_993, %broadcast_in_dim3A_11 : vector<16xi32>
        %add3A_1001 = arith.addi %mul3A_1000, %get3A_999 : vector<16xi32>
        %swap3A_1002 = arith.index_cast %select_n3A_827 : i32 to index
        %swap3A_1003 = arith.index_cast %select_n3A_843 : i32 to index
        %swap3A_1004 = arith.constant 96 : index
        %swap3A_1005 = tpu.vector_load %arg6[%swap3A_1002, %swap3A_1003, %swap3A_1004] {strides = array<i32>} : memref<14x4x128xi32, #tpu.memory_space<vmem>>, vector<1x1x16xi32>,
        %swap3A_1006 = vector.shape_cast %swap3A_1005 : vector<1x1x16xi32> to vector<16xi32>
        %swap3A_1007 = vector.shape_cast %add3A_1001 : vector<16xi32> to vector<1x1x16xi32>
        tpu.vector_store %arg6[%swap3A_1002, %swap3A_1003, %swap3A_1004], %swap3A_1007 {strides = array<i32>} : memref<14x4x128xi32, #tpu.memory_space<vmem>>, vector<1x1x16xi32>,
        %mul3A_1008 = arith.constant 128 : i32
        %mul3A_1009 = arith.muli %select_n3A_843, %mul3A_1008 : i32
        %add3A_1010 = arith.constant 112 : i32
        %add3A_1011 = arith.addi %mul3A_1009, %add3A_1010 : i32
        %get3A_1012 = arith.index_cast %add3A_853 : i32 to index
        %get3A_1013 = arith.index_cast %add3A_1011 : i32 to index
        %get3A_1014 = tpu.vector_load %arg5[%get3A_1012, %get3A_1013] {strides = array<i32>} : memref<35x512xi32, #tpu.memory_space<vmem>>, vector<1x16xi32>,
        %get3A_1015 = vector.shape_cast %get3A_1014 : vector<1x16xi32> to vector<16xi32>
        %add3A_1016 = arith.constant 1 : i32
        %add3A_1017 = arith.addi %add3A_853, %add3A_1016 : i32
        %get3A_1018 = arith.index_cast %add3A_1017 : i32 to index
        %get3A_1019 = arith.index_cast %add3A_1011 : i32 to index
        %get3A_1020 = tpu.vector_load %arg5[%get3A_1018, %get3A_1019] {strides = array<i32>} : memref<35x512xi32, #tpu.memory_space<vmem>>, vector<1x16xi32>,
        %get3A_1021 = vector.shape_cast %get3A_1020 : vector<1x16xi32> to vector<16xi32>
        %mul3A_1022 = arith.muli %get3A_1015, %broadcast_in_dim3A_11 : vector<16xi32>
        %add3A_1023 = arith.addi %mul3A_1022, %get3A_1021 : vector<16xi32>
        %swap3A_1024 = arith.index_cast %select_n3A_827 : i32 to index
        %swap3A_1025 = arith.index_cast %select_n3A_843 : i32 to index
        %swap3A_1026 = arith.constant 112 : index
        %swap3A_1027 = tpu.vector_load %arg6[%swap3A_1024, %swap3A_1025, %swap3A_1026] {strides = array<i32>} : memref<14x4x128xi32, #tpu.memory_space<vmem>>, vector<1x1x16xi32>,
        %swap3A_1028 = vector.shape_cast %swap3A_1027 : vector<1x1x16xi32> to vector<16xi32>
        %swap3A_1029 = vector.shape_cast %add3A_1023 : vector<16xi32> to vector<1x1x16xi32>
        tpu.vector_store %arg6[%swap3A_1024, %swap3A_1025, %swap3A_1026], %swap3A_1029 {strides = array<i32>} : memref<14x4x128xi32, #tpu.memory_space<vmem>>, vector<1x1x16xi32>,
        %ge3A = arith.constant 1 : i32
        %ge3A_1030 = arith.cmpi sge, %add3A_671, %ge3A : i32
        %convert_element_type3A_1031 = arith.extui %ge3A_1030 : i1 to i32
        %cond3A_1032 = arith.constant 0 : i32
        %cond3A_1033 = arith.cmpi ne, %convert_element_type3A_1031, %cond3A_1032 : i32
        scf.if %cond3A_1033 {
          %dma_wait3A_1080 = arith.constant 0 : i32
          %dma_wait3A_1081 = arith.constant 0 : i32
          %dma_wait3A_1082 = tpu.memref_slice %arg4[%dma_wait3A_1080, %dma_wait3A_1081] : memref<16384x1792xf32, #tpu.memory_space<hbm>> -> memref<128x128xf32, #tpu.memory_space<hbm>>
          %dma_wait3A_1083 = arith.constant 0 : i32
          %dma_wait3A_1084 = arith.constant 0 : i32
          %dma_wait3A_1085 = tpu.memref_slice %arg4[%dma_wait3A_1083, %dma_wait3A_1084] : memref<16384x1792xf32, #tpu.memory_space<hbm>> -> memref<128x128xf32, #tpu.memory_space<hbm>>
          tpu.wait_dma2 semaphore(%arg17 : memref<!tpu.dma_semaphore, #tpu.memory_space<semaphore_mem>>) src(%arg9 : memref<128x128xf32, #tpu.memory_space<vmem>>) dst(%dma_wait3A_1085 : memref<128x128xf32, #tpu.memory_space<hbm>>)
        } else {
        }
        %jit3A_1034 = arith.constant 4 : i32
        %div3A_1035 = arith.divsi %sub3A_683, %jit3A_1034 : i32
        %sign3A_1036 = arith.constant 0 : i32
        %sign3A_1037 = arith.cmpi sgt, %sub3A_683, %sign3A_1036 : i32
        %sign3A_1038 = arith.extui %sign3A_1037 : i1 to i32
        %sign3A_1039 = arith.constant 0 : i32
        %sign3A_1040 = arith.cmpi slt, %sub3A_683, %sign3A_1039 : i32
        %sign3A_1041 = arith.extui %sign3A_1040 : i1 to i32
        %sign3A_1042 = arith.subi %sign3A_1038, %sign3A_1041 : i32
        %sign3A_1043 = arith.constant 0 : i32
        %sign3A_1044 = arith.cmpi sgt, %jit3A_1034, %sign3A_1043 : i32
        %sign3A_1045 = arith.extui %sign3A_1044 : i1 to i32
        %sign3A_1046 = arith.constant 0 : i32
        %sign3A_1047 = arith.cmpi slt, %jit3A_1034, %sign3A_1046 : i32
        %sign3A_1048 = arith.extui %sign3A_1047 : i1 to i32
        %sign3A_1049 = arith.subi %sign3A_1045, %sign3A_1048 : i32
        %ne3A_1050 = arith.cmpi ne, %sign3A_1042, %sign3A_1049 : i32
        %rem3A_1051 = arith.remsi %sub3A_683, %jit3A_1034 : i32
        %ne3A_1052 = arith.constant 0 : i32
        %ne3A_1053 = arith.cmpi ne, %rem3A_1051, %ne3A_1052 : i32
        %and3A_1054 = arith.andi %ne3A_1050, %ne3A_1053 : i1
        %sub3A_1055 = arith.constant 1 : i32
        %sub3A_1056 = arith.subi %div3A_1035, %sub3A_1055 : i32
        %select_n3A_1057 = arith.select %and3A_1054, %sub3A_1056, %div3A_1035 : i32
        %jit3A_1058 = arith.constant 4 : i32
        %eq3A_1059 = arith.constant 0 : i32
        %eq3A_1060 = arith.cmpi eq, %jit3A_1058, %eq3A_1059 : i32
        %jit3A_1061 = arith.constant 1 : i32
        %select_n3A_1062 = arith.select %eq3A_1060, %jit3A_1061, %jit3A_1058 : i32
        %rem3A_1063 = arith.remsi %sub3A_683, %select_n3A_1062 : i32
        %ne3A_1064 = arith.constant 0 : i32
        %ne3A_1065 = arith.cmpi ne, %rem3A_1063, %ne3A_1064 : i32
        %lt3A_1066 = arith.constant 0 : i32
        %lt3A_1067 = arith.cmpi slt, %rem3A_1063, %lt3A_1066 : i32
        %lt3A_1068 = arith.constant 0 : i32
        %lt3A_1069 = arith.cmpi slt, %select_n3A_1062, %lt3A_1068 : i32
        %ne3A_1070 = arith.xori %lt3A_1067, %lt3A_1069 : i1
        %and3A_1071 = arith.andi %ne3A_1070, %ne3A_1065 : i1
        %add3A_1072 = arith.addi %rem3A_1063, %select_n3A_1062 : i32
        %select_n3A_1073 = arith.select %and3A_1071, %add3A_1072, %rem3A_1063 : i32
        %dma_start3A_1074 = arith.constant 0 : i32
        %dma_start3A_1075 = tpu.memref_slice %arg6[%select_n3A_1057, %select_n3A_1073, %dma_start3A_1074] : memref<14x4x128xi32, #tpu.memory_space<vmem>> -> memref<1x1x128xi32, #tpu.memory_space<vmem>>
        %dma_start3A_1076 = tpu.memref_squeeze %dma_start3A_1075 : memref<1x1x128xi32, #tpu.memory_space<vmem>> -> memref<128xi32, #tpu.memory_space<vmem>>
        %dma_start3A_1077 = arith.constant 0 : i32
        %dma_start3A_1078 = arith.constant 0 : i32
        %dma_start3A_1079 = tpu.memref_slice %arg7[%dma_start3A_1077, %dma_start3A_1078] : memref<49x128xf32, #tpu.memory_space<vmem_shared>> -> memref<49x128xf32, #tpu.memory_space<vmem_shared>>
        tpu.enqueue_indirect_dma source(%dma_start3A_1079 : memref<49x128xf32, #tpu.memory_space<vmem_shared>>) target(%arg9 : memref<128x128xf32, #tpu.memory_space<vmem>>) offsets(%dma_start3A_1076 : memref<128xi32, #tpu.memory_space<vmem>>) semaphore(%arg13 : memref<!tpu.dma_semaphore, #tpu.memory_space<semaphore_mem>>)
      } else {
      }
      %jit3A_689 = arith.constant 4 : i32
      %eq3A_690 = arith.constant 0 : i32
      %eq3A_691 = arith.cmpi eq, %jit3A_689, %eq3A_690 : i32
      %jit3A_692 = arith.constant 1 : i32
      %select_n3A_693 = arith.select %eq3A_691, %jit3A_692, %jit3A_689 : i32
      %rem3A_694 = arith.remsi %add3A_671, %select_n3A_693 : i32
      %ne3A_695 = arith.constant 0 : i32
      %ne3A_696 = arith.cmpi ne, %rem3A_694, %ne3A_695 : i32
      %lt3A_697 = arith.constant 0 : i32
      %lt3A_698 = arith.cmpi slt, %rem3A_694, %lt3A_697 : i32
      %lt3A_699 = arith.constant 0 : i32
      %lt3A_700 = arith.cmpi slt, %select_n3A_693, %lt3A_699 : i32
      %ne3A_701 = arith.xori %lt3A_698, %lt3A_700 : i1
      %and3A_702 = arith.andi %ne3A_701, %ne3A_696 : i1
      %add3A_703 = arith.addi %rem3A_694, %select_n3A_693 : i32
      %select_n3A_704 = arith.select %and3A_702, %add3A_703, %rem3A_694 : i32
      %mul3A_705 = arith.constant 128 : i32
      %mul3A_706 = arith.muli %select_n3A_704, %mul3A_705 : i32
      %add3A_707 = arith.addi %mul3A_2, %mul3A_706 : i32
      %jit3A_708 = arith.constant 4 : i32
      %div3A_709 = arith.divsi %add3A_671, %jit3A_708 : i32
      %sign3A_710 = arith.constant 0 : i32
      %sign3A_711 = arith.cmpi sgt, %add3A_671, %sign3A_710 : i32
      %sign3A_712 = arith.extui %sign3A_711 : i1 to i32
      %sign3A_713 = arith.constant 0 : i32
      %sign3A_714 = arith.cmpi slt, %add3A_671, %sign3A_713 : i32
      %sign3A_715 = arith.extui %sign3A_714 : i1 to i32
      %sign3A_716 = arith.subi %sign3A_712, %sign3A_715 : i32
      %sign3A_717 = arith.constant 0 : i32
      %sign3A_718 = arith.cmpi sgt, %jit3A_708, %sign3A_717 : i32
      %sign3A_719 = arith.extui %sign3A_718 : i1 to i32
      %sign3A_720 = arith.constant 0 : i32
      %sign3A_721 = arith.cmpi slt, %jit3A_708, %sign3A_720 : i32
      %sign3A_722 = arith.extui %sign3A_721 : i1 to i32
      %sign3A_723 = arith.subi %sign3A_719, %sign3A_722 : i32
      %ne3A_724 = arith.cmpi ne, %sign3A_716, %sign3A_723 : i32
      %rem3A_725 = arith.remsi %add3A_671, %jit3A_708 : i32
      %ne3A_726 = arith.constant 0 : i32
      %ne3A_727 = arith.cmpi ne, %rem3A_725, %ne3A_726 : i32
      %and3A_728 = arith.andi %ne3A_724, %ne3A_727 : i1
      %sub3A_729 = arith.constant 1 : i32
      %sub3A_730 = arith.subi %div3A_709, %sub3A_729 : i32
      %select_n3A_731 = arith.select %and3A_728, %sub3A_730, %div3A_709 : i32
      %mul3A_732 = arith.constant 128 : i32
      %mul3A_733 = arith.muli %select_n3A_731, %mul3A_732 : i32
      %dma_start3A_734 = tpu.memref_slice %arg4[%add3A_707, %mul3A_733] : memref<16384x1792xf32, #tpu.memory_space<hbm>> -> memref<128x128xf32, #tpu.memory_space<hbm>>
      %dma_start3A_735 = tpu.memref_slice %arg4[%add3A_707, %mul3A_733] : memref<16384x1792xf32, #tpu.memory_space<hbm>> -> memref<128x128xf32, #tpu.memory_space<hbm>>
      tpu.enqueue_dma source(%arg10 : memref<128x128xf32, #tpu.memory_space<vmem>>) target(%dma_start3A_735 : memref<128x128xf32, #tpu.memory_space<hbm>>) target_semaphore(%arg18 : memref<!tpu.dma_semaphore, #tpu.memory_space<semaphore_mem>>)
      %mul3A_736 = arith.constant 4 : i32
      %mul3A_737 = arith.muli %scan3A_543, %mul3A_736 : i32
      %add3A_738 = arith.constant 3 : i32
      %add3A_739 = arith.addi %mul3A_737, %add3A_738 : i32
      %dma_wait3A_740 = arith.constant 0 : i32
      %dma_wait3A_741 = arith.constant 0 : i32
      %dma_wait3A_742 = arith.constant 0 : i32
      %dma_wait3A_743 = tpu.memref_slice %arg6[%dma_wait3A_740, %dma_wait3A_741, %dma_wait3A_742] : memref<14x4x128xi32, #tpu.memory_space<vmem>> -> memref<1x1x128xi32, #tpu.memory_space<vmem>>
      %dma_wait3A_744 = tpu.memref_squeeze %dma_wait3A_743 : memref<1x1x128xi32, #tpu.memory_space<vmem>> -> memref<128xi32, #tpu.memory_space<vmem>>
      %dma_wait3A_745 = arith.constant 0 : i32
      %dma_wait3A_746 = arith.constant 0 : i32
      %dma_wait3A_747 = tpu.memref_slice %arg7[%dma_wait3A_745, %dma_wait3A_746] : memref<49x128xf32, #tpu.memory_space<vmem_shared>> -> memref<49x128xf32, #tpu.memory_space<vmem_shared>>
      tpu.wait_indirect_dma semaphore(%arg15 : memref<!tpu.dma_semaphore, #tpu.memory_space<semaphore_mem>>) src(%dma_wait3A_747 : memref<49x128xf32, #tpu.memory_space<vmem_shared>>) dst(%arg11 : memref<128x128xf32, #tpu.memory_space<vmem>>)
      %add3A_748 = arith.constant 4 : i32
      %add3A_749 = arith.addi %add3A_739, %add3A_748 : i32
      %sub3A_750 = arith.constant 1 : i32
      %sub3A_751 = arith.subi %add3A_749, %sub3A_750 : i32
      %lt3A_752 = arith.constant 56 : i32
      %lt3A_753 = arith.cmpi slt, %sub3A_751, %lt3A_752 : i32
      %convert_element_type3A_754 = arith.extui %lt3A_753 : i1 to i32
      %cond3A_755 = arith.constant 0 : i32
      %cond3A_756 = arith.cmpi ne, %convert_element_type3A_754, %cond3A_755 : i32
      scf.if %cond3A_756 {
        %jit3A_804 = arith.constant 4 : i32
        %div3A_805 = arith.divsi %sub3A_751, %jit3A_804 : i32
        %sign3A_806 = arith.constant 0 : i32
        %sign3A_807 = arith.cmpi sgt, %sub3A_751, %sign3A_806 : i32
        %sign3A_808 = arith.extui %sign3A_807 : i1 to i32
        %sign3A_809 = arith.constant 0 : i32
        %sign3A_810 = arith.cmpi slt, %sub3A_751, %sign3A_809 : i32
        %sign3A_811 = arith.extui %sign3A_810 : i1 to i32
        %sign3A_812 = arith.subi %sign3A_808, %sign3A_811 : i32
        %sign3A_813 = arith.constant 0 : i32
        %sign3A_814 = arith.cmpi sgt, %jit3A_804, %sign3A_813 : i32
        %sign3A_815 = arith.extui %sign3A_814 : i1 to i32
        %sign3A_816 = arith.constant 0 : i32
        %sign3A_817 = arith.cmpi slt, %jit3A_804, %sign3A_816 : i32
        %sign3A_818 = arith.extui %sign3A_817 : i1 to i32
        %sign3A_819 = arith.subi %sign3A_815, %sign3A_818 : i32
        %ne3A_820 = arith.cmpi ne, %sign3A_812, %sign3A_819 : i32
        %rem3A_821 = arith.remsi %sub3A_751, %jit3A_804 : i32
        %ne3A_822 = arith.constant 0 : i32
        %ne3A_823 = arith.cmpi ne, %rem3A_821, %ne3A_822 : i32
        %and3A_824 = arith.andi %ne3A_820, %ne3A_823 : i1
        %sub3A_825 = arith.constant 1 : i32
        %sub3A_826 = arith.subi %div3A_805, %sub3A_825 : i32
        %select_n3A_827 = arith.select %and3A_824, %sub3A_826, %div3A_805 : i32
        %jit3A_828 = arith.constant 4 : i32
        %eq3A_829 = arith.constant 0 : i32
        %eq3A_830 = arith.cmpi eq, %jit3A_828, %eq3A_829 : i32
        %jit3A_831 = arith.constant 1 : i32
        %select_n3A_832 = arith.select %eq3A_830, %jit3A_831, %jit3A_828 : i32
        %rem3A_833 = arith.remsi %sub3A_751, %select_n3A_832 : i32
        %ne3A_834 = arith.constant 0 : i32
        %ne3A_835 = arith.cmpi ne, %rem3A_833, %ne3A_834 : i32
        %lt3A_836 = arith.constant 0 : i32
        %lt3A_837 = arith.cmpi slt, %rem3A_833, %lt3A_836 : i32
        %lt3A_838 = arith.constant 0 : i32
        %lt3A_839 = arith.cmpi slt, %select_n3A_832, %lt3A_838 : i32
        %ne3A_840 = arith.xori %lt3A_837, %lt3A_839 : i1
        %and3A_841 = arith.andi %ne3A_840, %ne3A_835 : i1
        %add3A_842 = arith.addi %rem3A_833, %select_n3A_832 : i32
        %select_n3A_843 = arith.select %and3A_841, %add3A_842, %rem3A_833 : i32
        %shift_right_arithmetic3A = arith.constant 1 : i32
        %shift_right_arithmetic3A_844 = arith.shrsi %select_n3A_827, %shift_right_arithmetic3A : i32
        %mul3A_845 = arith.constant 5 : i32
        %mul3A_846 = arith.muli %shift_right_arithmetic3A_844, %mul3A_845 : i32
        %add3A_847 = arith.constant 1 : i32
        %add3A_848 = arith.addi %mul3A_846, %add3A_847 : i32
        %and3A_849 = arith.constant 1 : i32
        %and3A_850 = arith.andi %select_n3A_827, %and3A_849 : i32
        %mul3A_851 = arith.constant 2 : i32
        %mul3A_852 = arith.muli %mul3A_851, %and3A_850 : i32
        %add3A_853 = arith.addi %add3A_848, %mul3A_852 : i32
        %mul3A_854 = arith.constant 128 : i32
        %mul3A_855 = arith.muli %select_n3A_843, %mul3A_854 : i32
        %add3A_856 = arith.constant 0 : i32
        %add3A_857 = arith.addi %mul3A_855, %add3A_856 : i32
        %get3A_858 = arith.index_cast %add3A_853 : i32 to index
        %get3A_859 = arith.index_cast %add3A_857 : i32 to index
        %get3A_860 = tpu.vector_load %arg5[%get3A_858, %get3A_859] {strides = array<i32>} : memref<35x512xi32, #tpu.memory_space<vmem>>, vector<1x16xi32>,
        %get3A_861 = vector.shape_cast %get3A_860 : vector<1x16xi32> to vector<16xi32>
        %add3A_862 = arith.constant 1 : i32
        %add3A_863 = arith.addi %add3A_853, %add3A_862 : i32
        %get3A_864 = arith.index_cast %add3A_863 : i32 to index
        %get3A_865 = arith.index_cast %add3A_857 : i32 to index
        %get3A_866 = tpu.vector_load %arg5[%get3A_864, %get3A_865] {strides = array<i32>} : memref<35x512xi32, #tpu.memory_space<vmem>>, vector<1x16xi32>,
        %get3A_867 = vector.shape_cast %get3A_866 : vector<1x16xi32> to vector<16xi32>
        %mul3A_868 = arith.muli %get3A_861, %broadcast_in_dim3A_11 : vector<16xi32>
        %add3A_869 = arith.addi %mul3A_868, %get3A_867 : vector<16xi32>
        %swap3A_870 = arith.index_cast %select_n3A_827 : i32 to index
        %swap3A_871 = arith.index_cast %select_n3A_843 : i32 to index
        %swap3A_872 = arith.constant 0 : index
        %swap3A_873 = tpu.vector_load %arg6[%swap3A_870, %swap3A_871, %swap3A_872] {strides = array<i32>} : memref<14x4x128xi32, #tpu.memory_space<vmem>>, vector<1x1x16xi32>,
        %swap3A_874 = vector.shape_cast %swap3A_873 : vector<1x1x16xi32> to vector<16xi32>
        %swap3A_875 = vector.shape_cast %add3A_869 : vector<16xi32> to vector<1x1x16xi32>
        tpu.vector_store %arg6[%swap3A_870, %swap3A_871, %swap3A_872], %swap3A_875 {strides = array<i32>} : memref<14x4x128xi32, #tpu.memory_space<vmem>>, vector<1x1x16xi32>,
        %mul3A_876 = arith.constant 128 : i32
        %mul3A_877 = arith.muli %select_n3A_843, %mul3A_876 : i32
        %add3A_878 = arith.constant 16 : i32
        %add3A_879 = arith.addi %mul3A_877, %add3A_878 : i32
        %get3A_880 = arith.index_cast %add3A_853 : i32 to index
        %get3A_881 = arith.index_cast %add3A_879 : i32 to index
        %get3A_882 = tpu.vector_load %arg5[%get3A_880, %get3A_881] {strides = array<i32>} : memref<35x512xi32, #tpu.memory_space<vmem>>, vector<1x16xi32>,
        %get3A_883 = vector.shape_cast %get3A_882 : vector<1x16xi32> to vector<16xi32>
        %add3A_884 = arith.constant 1 : i32
        %add3A_885 = arith.addi %add3A_853, %add3A_884 : i32
        %get3A_886 = arith.index_cast %add3A_885 : i32 to index
        %get3A_887 = arith.index_cast %add3A_879 : i32 to index
        %get3A_888 = tpu.vector_load %arg5[%get3A_886, %get3A_887] {strides = array<i32>} : memref<35x512xi32, #tpu.memory_space<vmem>>, vector<1x16xi32>,
        %get3A_889 = vector.shape_cast %get3A_888 : vector<1x16xi32> to vector<16xi32>
        %mul3A_890 = arith.muli %get3A_883, %broadcast_in_dim3A_11 : vector<16xi32>
        %add3A_891 = arith.addi %mul3A_890, %get3A_889 : vector<16xi32>
        %swap3A_892 = arith.index_cast %select_n3A_827 : i32 to index
        %swap3A_893 = arith.index_cast %select_n3A_843 : i32 to index
        %swap3A_894 = arith.constant 16 : index
        %swap3A_895 = tpu.vector_load %arg6[%swap3A_892, %swap3A_893, %swap3A_894] {strides = array<i32>} : memref<14x4x128xi32, #tpu.memory_space<vmem>>, vector<1x1x16xi32>,
        %swap3A_896 = vector.shape_cast %swap3A_895 : vector<1x1x16xi32> to vector<16xi32>
        %swap3A_897 = vector.shape_cast %add3A_891 : vector<16xi32> to vector<1x1x16xi32>
        tpu.vector_store %arg6[%swap3A_892, %swap3A_893, %swap3A_894], %swap3A_897 {strides = array<i32>} : memref<14x4x128xi32, #tpu.memory_space<vmem>>, vector<1x1x16xi32>,
        %mul3A_898 = arith.constant 128 : i32
        %mul3A_899 = arith.muli %select_n3A_843, %mul3A_898 : i32
        %add3A_900 = arith.constant 32 : i32
        %add3A_901 = arith.addi %mul3A_899, %add3A_900 : i32
        %get3A_902 = arith.index_cast %add3A_853 : i32 to index
        %get3A_903 = arith.index_cast %add3A_901 : i32 to index
        %get3A_904 = tpu.vector_load %arg5[%get3A_902, %get3A_903] {strides = array<i32>} : memref<35x512xi32, #tpu.memory_space<vmem>>, vector<1x16xi32>,
        %get3A_905 = vector.shape_cast %get3A_904 : vector<1x16xi32> to vector<16xi32>
        %add3A_906 = arith.constant 1 : i32
        %add3A_907 = arith.addi %add3A_853, %add3A_906 : i32
        %get3A_908 = arith.index_cast %add3A_907 : i32 to index
        %get3A_909 = arith.index_cast %add3A_901 : i32 to index
        %get3A_910 = tpu.vector_load %arg5[%get3A_908, %get3A_909] {strides = array<i32>} : memref<35x512xi32, #tpu.memory_space<vmem>>, vector<1x16xi32>,
        %get3A_911 = vector.shape_cast %get3A_910 : vector<1x16xi32> to vector<16xi32>
        %mul3A_912 = arith.muli %get3A_905, %broadcast_in_dim3A_11 : vector<16xi32>
        %add3A_913 = arith.addi %mul3A_912, %get3A_911 : vector<16xi32>
        %swap3A_914 = arith.index_cast %select_n3A_827 : i32 to index
        %swap3A_915 = arith.index_cast %select_n3A_843 : i32 to index
        %swap3A_916 = arith.constant 32 : index
        %swap3A_917 = tpu.vector_load %arg6[%swap3A_914, %swap3A_915, %swap3A_916] {strides = array<i32>} : memref<14x4x128xi32, #tpu.memory_space<vmem>>, vector<1x1x16xi32>,
        %swap3A_918 = vector.shape_cast %swap3A_917 : vector<1x1x16xi32> to vector<16xi32>
        %swap3A_919 = vector.shape_cast %add3A_913 : vector<16xi32> to vector<1x1x16xi32>
        tpu.vector_store %arg6[%swap3A_914, %swap3A_915, %swap3A_916], %swap3A_919 {strides = array<i32>} : memref<14x4x128xi32, #tpu.memory_space<vmem>>, vector<1x1x16xi32>,
        %mul3A_920 = arith.constant 128 : i32
        %mul3A_921 = arith.muli %select_n3A_843, %mul3A_920 : i32
        %add3A_922 = arith.constant 48 : i32
        %add3A_923 = arith.addi %mul3A_921, %add3A_922 : i32
        %get3A_924 = arith.index_cast %add3A_853 : i32 to index
        %get3A_925 = arith.index_cast %add3A_923 : i32 to index
        %get3A_926 = tpu.vector_load %arg5[%get3A_924, %get3A_925] {strides = array<i32>} : memref<35x512xi32, #tpu.memory_space<vmem>>, vector<1x16xi32>,
        %get3A_927 = vector.shape_cast %get3A_926 : vector<1x16xi32> to vector<16xi32>
        %add3A_928 = arith.constant 1 : i32
        %add3A_929 = arith.addi %add3A_853, %add3A_928 : i32
        %get3A_930 = arith.index_cast %add3A_929 : i32 to index
        %get3A_931 = arith.index_cast %add3A_923 : i32 to index
        %get3A_932 = tpu.vector_load %arg5[%get3A_930, %get3A_931] {strides = array<i32>} : memref<35x512xi32, #tpu.memory_space<vmem>>, vector<1x16xi32>,
        %get3A_933 = vector.shape_cast %get3A_932 : vector<1x16xi32> to vector<16xi32>
        %mul3A_934 = arith.muli %get3A_927, %broadcast_in_dim3A_11 : vector<16xi32>
        %add3A_935 = arith.addi %mul3A_934, %get3A_933 : vector<16xi32>
        %swap3A_936 = arith.index_cast %select_n3A_827 : i32 to index
        %swap3A_937 = arith.index_cast %select_n3A_843 : i32 to index
        %swap3A_938 = arith.constant 48 : index
        %swap3A_939 = tpu.vector_load %arg6[%swap3A_936, %swap3A_937, %swap3A_938] {strides = array<i32>} : memref<14x4x128xi32, #tpu.memory_space<vmem>>, vector<1x1x16xi32>,
        %swap3A_940 = vector.shape_cast %swap3A_939 : vector<1x1x16xi32> to vector<16xi32>
        %swap3A_941 = vector.shape_cast %add3A_935 : vector<16xi32> to vector<1x1x16xi32>
        tpu.vector_store %arg6[%swap3A_936, %swap3A_937, %swap3A_938], %swap3A_941 {strides = array<i32>} : memref<14x4x128xi32, #tpu.memory_space<vmem>>, vector<1x1x16xi32>,
        %mul3A_942 = arith.constant 128 : i32
        %mul3A_943 = arith.muli %select_n3A_843, %mul3A_942 : i32
        %add3A_944 = arith.constant 64 : i32
        %add3A_945 = arith.addi %mul3A_943, %add3A_944 : i32
        %get3A_946 = arith.index_cast %add3A_853 : i32 to index
        %get3A_947 = arith.index_cast %add3A_945 : i32 to index
        %get3A_948 = tpu.vector_load %arg5[%get3A_946, %get3A_947] {strides = array<i32>} : memref<35x512xi32, #tpu.memory_space<vmem>>, vector<1x16xi32>,
        %get3A_949 = vector.shape_cast %get3A_948 : vector<1x16xi32> to vector<16xi32>
        %add3A_950 = arith.constant 1 : i32
        %add3A_951 = arith.addi %add3A_853, %add3A_950 : i32
        %get3A_952 = arith.index_cast %add3A_951 : i32 to index
        %get3A_953 = arith.index_cast %add3A_945 : i32 to index
        %get3A_954 = tpu.vector_load %arg5[%get3A_952, %get3A_953] {strides = array<i32>} : memref<35x512xi32, #tpu.memory_space<vmem>>, vector<1x16xi32>,
        %get3A_955 = vector.shape_cast %get3A_954 : vector<1x16xi32> to vector<16xi32>
        %mul3A_956 = arith.muli %get3A_949, %broadcast_in_dim3A_11 : vector<16xi32>
        %add3A_957 = arith.addi %mul3A_956, %get3A_955 : vector<16xi32>
        %swap3A_958 = arith.index_cast %select_n3A_827 : i32 to index
        %swap3A_959 = arith.index_cast %select_n3A_843 : i32 to index
        %swap3A_960 = arith.constant 64 : index
        %swap3A_961 = tpu.vector_load %arg6[%swap3A_958, %swap3A_959, %swap3A_960] {strides = array<i32>} : memref<14x4x128xi32, #tpu.memory_space<vmem>>, vector<1x1x16xi32>,
        %swap3A_962 = vector.shape_cast %swap3A_961 : vector<1x1x16xi32> to vector<16xi32>
        %swap3A_963 = vector.shape_cast %add3A_957 : vector<16xi32> to vector<1x1x16xi32>
        tpu.vector_store %arg6[%swap3A_958, %swap3A_959, %swap3A_960], %swap3A_963 {strides = array<i32>} : memref<14x4x128xi32, #tpu.memory_space<vmem>>, vector<1x1x16xi32>,
        %mul3A_964 = arith.constant 128 : i32
        %mul3A_965 = arith.muli %select_n3A_843, %mul3A_964 : i32
        %add3A_966 = arith.constant 80 : i32
        %add3A_967 = arith.addi %mul3A_965, %add3A_966 : i32
        %get3A_968 = arith.index_cast %add3A_853 : i32 to index
        %get3A_969 = arith.index_cast %add3A_967 : i32 to index
        %get3A_970 = tpu.vector_load %arg5[%get3A_968, %get3A_969] {strides = array<i32>} : memref<35x512xi32, #tpu.memory_space<vmem>>, vector<1x16xi32>,
        %get3A_971 = vector.shape_cast %get3A_970 : vector<1x16xi32> to vector<16xi32>
        %add3A_972 = arith.constant 1 : i32
        %add3A_973 = arith.addi %add3A_853, %add3A_972 : i32
        %get3A_974 = arith.index_cast %add3A_973 : i32 to index
        %get3A_975 = arith.index_cast %add3A_967 : i32 to index
        %get3A_976 = tpu.vector_load %arg5[%get3A_974, %get3A_975] {strides = array<i32>} : memref<35x512xi32, #tpu.memory_space<vmem>>, vector<1x16xi32>,
        %get3A_977 = vector.shape_cast %get3A_976 : vector<1x16xi32> to vector<16xi32>
        %mul3A_978 = arith.muli %get3A_971, %broadcast_in_dim3A_11 : vector<16xi32>
        %add3A_979 = arith.addi %mul3A_978, %get3A_977 : vector<16xi32>
        %swap3A_980 = arith.index_cast %select_n3A_827 : i32 to index
        %swap3A_981 = arith.index_cast %select_n3A_843 : i32 to index
        %swap3A_982 = arith.constant 80 : index
        %swap3A_983 = tpu.vector_load %arg6[%swap3A_980, %swap3A_981, %swap3A_982] {strides = array<i32>} : memref<14x4x128xi32, #tpu.memory_space<vmem>>, vector<1x1x16xi32>,
        %swap3A_984 = vector.shape_cast %swap3A_983 : vector<1x1x16xi32> to vector<16xi32>
        %swap3A_985 = vector.shape_cast %add3A_979 : vector<16xi32> to vector<1x1x16xi32>
        tpu.vector_store %arg6[%swap3A_980, %swap3A_981, %swap3A_982], %swap3A_985 {strides = array<i32>} : memref<14x4x128xi32, #tpu.memory_space<vmem>>, vector<1x1x16xi32>,
        %mul3A_986 = arith.constant 128 : i32
        %mul3A_987 = arith.muli %select_n3A_843, %mul3A_986 : i32
        %add3A_988 = arith.constant 96 : i32
        %add3A_989 = arith.addi %mul3A_987, %add3A_988 : i32
        %get3A_990 = arith.index_cast %add3A_853 : i32 to index
        %get3A_991 = arith.index_cast %add3A_989 : i32 to index
        %get3A_992 = tpu.vector_load %arg5[%get3A_990, %get3A_991] {strides = array<i32>} : memref<35x512xi32, #tpu.memory_space<vmem>>, vector<1x16xi32>,
        %get3A_993 = vector.shape_cast %get3A_992 : vector<1x16xi32> to vector<16xi32>
        %add3A_994 = arith.constant 1 : i32
        %add3A_995 = arith.addi %add3A_853, %add3A_994 : i32
        %get3A_996 = arith.index_cast %add3A_995 : i32 to index
        %get3A_997 = arith.index_cast %add3A_989 : i32 to index
        %get3A_998 = tpu.vector_load %arg5[%get3A_996, %get3A_997] {strides = array<i32>} : memref<35x512xi32, #tpu.memory_space<vmem>>, vector<1x16xi32>,
        %get3A_999 = vector.shape_cast %get3A_998 : vector<1x16xi32> to vector<16xi32>
        %mul3A_1000 = arith.muli %get3A_993, %broadcast_in_dim3A_11 : vector<16xi32>
        %add3A_1001 = arith.addi %mul3A_1000, %get3A_999 : vector<16xi32>
        %swap3A_1002 = arith.index_cast %select_n3A_827 : i32 to index
        %swap3A_1003 = arith.index_cast %select_n3A_843 : i32 to index
        %swap3A_1004 = arith.constant 96 : index
        %swap3A_1005 = tpu.vector_load %arg6[%swap3A_1002, %swap3A_1003, %swap3A_1004] {strides = array<i32>} : memref<14x4x128xi32, #tpu.memory_space<vmem>>, vector<1x1x16xi32>,
        %swap3A_1006 = vector.shape_cast %swap3A_1005 : vector<1x1x16xi32> to vector<16xi32>
        %swap3A_1007 = vector.shape_cast %add3A_1001 : vector<16xi32> to vector<1x1x16xi32>
        tpu.vector_store %arg6[%swap3A_1002, %swap3A_1003, %swap3A_1004], %swap3A_1007 {strides = array<i32>} : memref<14x4x128xi32, #tpu.memory_space<vmem>>, vector<1x1x16xi32>,
        %mul3A_1008 = arith.constant 128 : i32
        %mul3A_1009 = arith.muli %select_n3A_843, %mul3A_1008 : i32
        %add3A_1010 = arith.constant 112 : i32
        %add3A_1011 = arith.addi %mul3A_1009, %add3A_1010 : i32
        %get3A_1012 = arith.index_cast %add3A_853 : i32 to index
        %get3A_1013 = arith.index_cast %add3A_1011 : i32 to index
        %get3A_1014 = tpu.vector_load %arg5[%get3A_1012, %get3A_1013] {strides = array<i32>} : memref<35x512xi32, #tpu.memory_space<vmem>>, vector<1x16xi32>,
        %get3A_1015 = vector.shape_cast %get3A_1014 : vector<1x16xi32> to vector<16xi32>
        %add3A_1016 = arith.constant 1 : i32
        %add3A_1017 = arith.addi %add3A_853, %add3A_1016 : i32
        %get3A_1018 = arith.index_cast %add3A_1017 : i32 to index
        %get3A_1019 = arith.index_cast %add3A_1011 : i32 to index
        %get3A_1020 = tpu.vector_load %arg5[%get3A_1018, %get3A_1019] {strides = array<i32>} : memref<35x512xi32, #tpu.memory_space<vmem>>, vector<1x16xi32>,
        %get3A_1021 = vector.shape_cast %get3A_1020 : vector<1x16xi32> to vector<16xi32>
        %mul3A_1022 = arith.muli %get3A_1015, %broadcast_in_dim3A_11 : vector<16xi32>
        %add3A_1023 = arith.addi %mul3A_1022, %get3A_1021 : vector<16xi32>
        %swap3A_1024 = arith.index_cast %select_n3A_827 : i32 to index
        %swap3A_1025 = arith.index_cast %select_n3A_843 : i32 to index
        %swap3A_1026 = arith.constant 112 : index
        %swap3A_1027 = tpu.vector_load %arg6[%swap3A_1024, %swap3A_1025, %swap3A_1026] {strides = array<i32>} : memref<14x4x128xi32, #tpu.memory_space<vmem>>, vector<1x1x16xi32>,
        %swap3A_1028 = vector.shape_cast %swap3A_1027 : vector<1x1x16xi32> to vector<16xi32>
        %swap3A_1029 = vector.shape_cast %add3A_1023 : vector<16xi32> to vector<1x1x16xi32>
        tpu.vector_store %arg6[%swap3A_1024, %swap3A_1025, %swap3A_1026], %swap3A_1029 {strides = array<i32>} : memref<14x4x128xi32, #tpu.memory_space<vmem>>, vector<1x1x16xi32>,
        %ge3A = arith.constant 1 : i32
        %ge3A_1030 = arith.cmpi sge, %add3A_739, %ge3A : i32
        %convert_element_type3A_1031 = arith.extui %ge3A_1030 : i1 to i32
        %cond3A_1032 = arith.constant 0 : i32
        %cond3A_1033 = arith.cmpi ne, %convert_element_type3A_1031, %cond3A_1032 : i32
        scf.if %cond3A_1033 {
          %dma_wait3A_1080 = arith.constant 0 : i32
          %dma_wait3A_1081 = arith.constant 0 : i32
          %dma_wait3A_1082 = tpu.memref_slice %arg4[%dma_wait3A_1080, %dma_wait3A_1081] : memref<16384x1792xf32, #tpu.memory_space<hbm>> -> memref<128x128xf32, #tpu.memory_space<hbm>>
          %dma_wait3A_1083 = arith.constant 0 : i32
          %dma_wait3A_1084 = arith.constant 0 : i32
          %dma_wait3A_1085 = tpu.memref_slice %arg4[%dma_wait3A_1083, %dma_wait3A_1084] : memref<16384x1792xf32, #tpu.memory_space<hbm>> -> memref<128x128xf32, #tpu.memory_space<hbm>>
          tpu.wait_dma2 semaphore(%arg18 : memref<!tpu.dma_semaphore, #tpu.memory_space<semaphore_mem>>) src(%arg10 : memref<128x128xf32, #tpu.memory_space<vmem>>) dst(%dma_wait3A_1085 : memref<128x128xf32, #tpu.memory_space<hbm>>)
        } else {
        }
        %jit3A_1034 = arith.constant 4 : i32
        %div3A_1035 = arith.divsi %sub3A_751, %jit3A_1034 : i32
        %sign3A_1036 = arith.constant 0 : i32
        %sign3A_1037 = arith.cmpi sgt, %sub3A_751, %sign3A_1036 : i32
        %sign3A_1038 = arith.extui %sign3A_1037 : i1 to i32
        %sign3A_1039 = arith.constant 0 : i32
        %sign3A_1040 = arith.cmpi slt, %sub3A_751, %sign3A_1039 : i32
        %sign3A_1041 = arith.extui %sign3A_1040 : i1 to i32
        %sign3A_1042 = arith.subi %sign3A_1038, %sign3A_1041 : i32
        %sign3A_1043 = arith.constant 0 : i32
        %sign3A_1044 = arith.cmpi sgt, %jit3A_1034, %sign3A_1043 : i32
        %sign3A_1045 = arith.extui %sign3A_1044 : i1 to i32
        %sign3A_1046 = arith.constant 0 : i32
        %sign3A_1047 = arith.cmpi slt, %jit3A_1034, %sign3A_1046 : i32
        %sign3A_1048 = arith.extui %sign3A_1047 : i1 to i32
        %sign3A_1049 = arith.subi %sign3A_1045, %sign3A_1048 : i32
        %ne3A_1050 = arith.cmpi ne, %sign3A_1042, %sign3A_1049 : i32
        %rem3A_1051 = arith.remsi %sub3A_751, %jit3A_1034 : i32
        %ne3A_1052 = arith.constant 0 : i32
        %ne3A_1053 = arith.cmpi ne, %rem3A_1051, %ne3A_1052 : i32
        %and3A_1054 = arith.andi %ne3A_1050, %ne3A_1053 : i1
        %sub3A_1055 = arith.constant 1 : i32
        %sub3A_1056 = arith.subi %div3A_1035, %sub3A_1055 : i32
        %select_n3A_1057 = arith.select %and3A_1054, %sub3A_1056, %div3A_1035 : i32
        %jit3A_1058 = arith.constant 4 : i32
        %eq3A_1059 = arith.constant 0 : i32
        %eq3A_1060 = arith.cmpi eq, %jit3A_1058, %eq3A_1059 : i32
        %jit3A_1061 = arith.constant 1 : i32
        %select_n3A_1062 = arith.select %eq3A_1060, %jit3A_1061, %jit3A_1058 : i32
        %rem3A_1063 = arith.remsi %sub3A_751, %select_n3A_1062 : i32
        %ne3A_1064 = arith.constant 0 : i32
        %ne3A_1065 = arith.cmpi ne, %rem3A_1063, %ne3A_1064 : i32
        %lt3A_1066 = arith.constant 0 : i32
        %lt3A_1067 = arith.cmpi slt, %rem3A_1063, %lt3A_1066 : i32
        %lt3A_1068 = arith.constant 0 : i32
        %lt3A_1069 = arith.cmpi slt, %select_n3A_1062, %lt3A_1068 : i32
        %ne3A_1070 = arith.xori %lt3A_1067, %lt3A_1069 : i1
        %and3A_1071 = arith.andi %ne3A_1070, %ne3A_1065 : i1
        %add3A_1072 = arith.addi %rem3A_1063, %select_n3A_1062 : i32
        %select_n3A_1073 = arith.select %and3A_1071, %add3A_1072, %rem3A_1063 : i32
        %dma_start3A_1074 = arith.constant 0 : i32
        %dma_start3A_1075 = tpu.memref_slice %arg6[%select_n3A_1057, %select_n3A_1073, %dma_start3A_1074] : memref<14x4x128xi32, #tpu.memory_space<vmem>> -> memref<1x1x128xi32, #tpu.memory_space<vmem>>
        %dma_start3A_1076 = tpu.memref_squeeze %dma_start3A_1075 : memref<1x1x128xi32, #tpu.memory_space<vmem>> -> memref<128xi32, #tpu.memory_space<vmem>>
        %dma_start3A_1077 = arith.constant 0 : i32
        %dma_start3A_1078 = arith.constant 0 : i32
        %dma_start3A_1079 = tpu.memref_slice %arg7[%dma_start3A_1077, %dma_start3A_1078] : memref<49x128xf32, #tpu.memory_space<vmem_shared>> -> memref<49x128xf32, #tpu.memory_space<vmem_shared>>
        tpu.enqueue_indirect_dma source(%dma_start3A_1079 : memref<49x128xf32, #tpu.memory_space<vmem_shared>>) target(%arg10 : memref<128x128xf32, #tpu.memory_space<vmem>>) offsets(%dma_start3A_1076 : memref<128xi32, #tpu.memory_space<vmem>>) semaphore(%arg14 : memref<!tpu.dma_semaphore, #tpu.memory_space<semaphore_mem>>)
      } else {
      }
      %jit3A_757 = arith.constant 4 : i32
      %eq3A_758 = arith.constant 0 : i32
      %eq3A_759 = arith.cmpi eq, %jit3A_757, %eq3A_758 : i32
      %jit3A_760 = arith.constant 1 : i32
      %select_n3A_761 = arith.select %eq3A_759, %jit3A_760, %jit3A_757 : i32
      %rem3A_762 = arith.remsi %add3A_739, %select_n3A_761 : i32
      %ne3A_763 = arith.constant 0 : i32
      %ne3A_764 = arith.cmpi ne, %rem3A_762, %ne3A_763 : i32
      %lt3A_765 = arith.constant 0 : i32
      %lt3A_766 = arith.cmpi slt, %rem3A_762, %lt3A_765 : i32
      %lt3A_767 = arith.constant 0 : i32
      %lt3A_768 = arith.cmpi slt, %select_n3A_761, %lt3A_767 : i32
      %ne3A_769 = arith.xori %lt3A_766, %lt3A_768 : i1
      %and3A_770 = arith.andi %ne3A_769, %ne3A_764 : i1
      %add3A_771 = arith.addi %rem3A_762, %select_n3A_761 : i32
      %select_n3A_772 = arith.select %and3A_770, %add3A_771, %rem3A_762 : i32
      %mul3A_773 = arith.constant 128 : i32
      %mul3A_774 = arith.muli %select_n3A_772, %mul3A_773 : i32
      %add3A_775 = arith.addi %mul3A_2, %mul3A_774 : i32
      %jit3A_776 = arith.constant 4 : i32
      %div3A_777 = arith.divsi %add3A_739, %jit3A_776 : i32
      %sign3A_778 = arith.constant 0 : i32
      %sign3A_779 = arith.cmpi sgt, %add3A_739, %sign3A_778 : i32
      %sign3A_780 = arith.extui %sign3A_779 : i1 to i32
      %sign3A_781 = arith.constant 0 : i32
      %sign3A_782 = arith.cmpi slt, %add3A_739, %sign3A_781 : i32
      %sign3A_783 = arith.extui %sign3A_782 : i1 to i32
      %sign3A_784 = arith.subi %sign3A_780, %sign3A_783 : i32
      %sign3A_785 = arith.constant 0 : i32
      %sign3A_786 = arith.cmpi sgt, %jit3A_776, %sign3A_785 : i32
      %sign3A_787 = arith.extui %sign3A_786 : i1 to i32
      %sign3A_788 = arith.constant 0 : i32
      %sign3A_789 = arith.cmpi slt, %jit3A_776, %sign3A_788 : i32
      %sign3A_790 = arith.extui %sign3A_789 : i1 to i32
      %sign3A_791 = arith.subi %sign3A_787, %sign3A_790 : i32
      %ne3A_792 = arith.cmpi ne, %sign3A_784, %sign3A_791 : i32
      %rem3A_793 = arith.remsi %add3A_739, %jit3A_776 : i32
      %ne3A_794 = arith.constant 0 : i32
      %ne3A_795 = arith.cmpi ne, %rem3A_793, %ne3A_794 : i32
      %and3A_796 = arith.andi %ne3A_792, %ne3A_795 : i1
      %sub3A_797 = arith.constant 1 : i32
      %sub3A_798 = arith.subi %div3A_777, %sub3A_797 : i32
      %select_n3A_799 = arith.select %and3A_796, %sub3A_798, %div3A_777 : i32
      %mul3A_800 = arith.constant 128 : i32
      %mul3A_801 = arith.muli %select_n3A_799, %mul3A_800 : i32
      %dma_start3A_802 = tpu.memref_slice %arg4[%add3A_775, %mul3A_801] : memref<16384x1792xf32, #tpu.memory_space<hbm>> -> memref<128x128xf32, #tpu.memory_space<hbm>>
      %dma_start3A_803 = tpu.memref_slice %arg4[%add3A_775, %mul3A_801] : memref<16384x1792xf32, #tpu.memory_space<hbm>> -> memref<128x128xf32, #tpu.memory_space<hbm>>
      tpu.enqueue_dma source(%arg11 : memref<128x128xf32, #tpu.memory_space<vmem>>) target(%dma_start3A_803 : memref<128x128xf32, #tpu.memory_space<hbm>>) target_semaphore(%arg19 : memref<!tpu.dma_semaphore, #tpu.memory_space<semaphore_mem>>)
    }
    %scan3A_518 = arith.constant 14 : i32
    %dma_wait3A_519 = arith.constant 0 : i32
    %dma_wait3A_520 = arith.constant 0 : i32
    %dma_wait3A_521 = tpu.memref_slice %arg4[%dma_wait3A_519, %dma_wait3A_520] : memref<16384x1792xf32, #tpu.memory_space<hbm>> -> memref<128x128xf32, #tpu.memory_space<hbm>>
    %dma_wait3A_522 = arith.constant 0 : i32
    %dma_wait3A_523 = arith.constant 0 : i32
    %dma_wait3A_524 = tpu.memref_slice %arg4[%dma_wait3A_522, %dma_wait3A_523] : memref<16384x1792xf32, #tpu.memory_space<hbm>> -> memref<128x128xf32, #tpu.memory_space<hbm>>
    tpu.wait_dma2 semaphore(%arg16 : memref<!tpu.dma_semaphore, #tpu.memory_space<semaphore_mem>>) src(%arg8 : memref<128x128xf32, #tpu.memory_space<vmem>>) dst(%dma_wait3A_524 : memref<128x128xf32, #tpu.memory_space<hbm>>)
    %dma_wait3A_525 = arith.constant 0 : i32
    %dma_wait3A_526 = arith.constant 0 : i32
    %dma_wait3A_527 = tpu.memref_slice %arg4[%dma_wait3A_525, %dma_wait3A_526] : memref<16384x1792xf32, #tpu.memory_space<hbm>> -> memref<128x128xf32, #tpu.memory_space<hbm>>
    %dma_wait3A_528 = arith.constant 0 : i32
    %dma_wait3A_529 = arith.constant 0 : i32
    %dma_wait3A_530 = tpu.memref_slice %arg4[%dma_wait3A_528, %dma_wait3A_529] : memref<16384x1792xf32, #tpu.memory_space<hbm>> -> memref<128x128xf32, #tpu.memory_space<hbm>>
    tpu.wait_dma2 semaphore(%arg17 : memref<!tpu.dma_semaphore, #tpu.memory_space<semaphore_mem>>) src(%arg9 : memref<128x128xf32, #tpu.memory_space<vmem>>) dst(%dma_wait3A_530 : memref<128x128xf32, #tpu.memory_space<hbm>>)
    %dma_wait3A_531 = arith.constant 0 : i32
    %dma_wait3A_532 = arith.constant 0 : i32
    %dma_wait3A_533 = tpu.memref_slice %arg4[%dma_wait3A_531, %dma_wait3A_532] : memref<16384x1792xf32, #tpu.memory_space<hbm>> -> memref<128x128xf32, #tpu.memory_space<hbm>>
    %dma_wait3A_534 = arith.constant 0 : i32
    %dma_wait3A_535 = arith.constant 0 : i32
    %dma_wait3A_536 = tpu.memref_slice %arg4[%dma_wait3A_534, %dma_wait3A_535] : memref<16384x1792xf32, #tpu.memory_space<hbm>> -> memref<128x128xf32, #tpu.memory_space<hbm>>
    tpu.wait_dma2 semaphore(%arg18 : memref<!tpu.dma_semaphore, #tpu.memory_space<semaphore_mem>>) src(%arg10 : memref<128x128xf32, #tpu.memory_space<vmem>>) dst(%dma_wait3A_536 : memref<128x128xf32, #tpu.memory_space<hbm>>)
    %dma_wait3A_537 = arith.constant 0 : i32
    %dma_wait3A_538 = arith.constant 0 : i32
    %dma_wait3A_539 = tpu.memref_slice %arg4[%dma_wait3A_537, %dma_wait3A_538] : memref<16384x1792xf32, #tpu.memory_space<hbm>> -> memref<128x128xf32, #tpu.memory_space<hbm>>
    %dma_wait3A_540 = arith.constant 0 : i32
    %dma_wait3A_541 = arith.constant 0 : i32
    %dma_wait3A_542 = tpu.memref_slice %arg4[%dma_wait3A_540, %dma_wait3A_541] : memref<16384x1792xf32, #tpu.memory_space<hbm>> -> memref<128x128xf32, #tpu.memory_space<hbm>>
    tpu.wait_dma2 semaphore(%arg19 : memref<!tpu.dma_semaphore, #tpu.memory_space<semaphore_mem>>) src(%arg11 : memref<128x128xf32, #tpu.memory_space<vmem>>) dst(%dma_wait3A_542 : memref<128x128xf32, #tpu.memory_space<hbm>>)
    return
  }
}

</mosaic_0001>

<sc_bundles>
// kernel: kernel.3.cloned.1.call-start
scs
__scs_entry_jumppad:
0x0: {  	(pc) =	sbr.rel $0x88, $3  }
0x1: {  	(tag) =	ssettag $0x0;
	lr =	simm.s32 $0x1  }
0x2: {  	[smem:$0x3F9F] =	sst lr;
	_ =	strace $0xD0000000  }
0x3: {  	_ = 	snop  }
0x4: {  	_ = 	snop  }
0x5: {  	_ = 	snop  }
0x6: {  	_ = 	snop  }
0x7: {  	_ = 	snop  }
__scs_overlays_trampoline_lowered:
0x8: {  	[smem:$0x3FAE] =	sst s0  }
0x9: {  	[smem:$0x3FAF] =	sst s1  }
0xa: {  	[smem:$0x3FB0] =	sst s2  }
0xb: {  	[smem:$0x3FB1] =	sst s3  }
0xc: {  	[smem:$0x3FB2] =	sst s4  }
0xd: {  	[smem:$0x3FB3] =	sst s5  }
0xe: {  	[smem:$0x3FB4] =	sst s6  }
0xf: {  	[smem:$0x3FB5] =	sst s7  }
0x10: {  	[smem:$0x3FB6] =	sst s8  }
0x11: {  	[smem:$0x3FB7] =	sst s9;
	s0 =	simm.s32 @!p0 $0x0  }
0x12: {  	s1 =	sld [smem:$0x3F9D];
	s0 =	simm.s32 @p0 $0x1  }
0x13: {  	[smem:$0x3FB8] =	sst s0;
	s0 =	simm.s32 @!p1 $0x0  }
0x14: {  	s2 =	sld [smem:$0x3F9C];
	s0 =	simm.s32 @p1 $0x1  }
0x15: {  	[smem:$0x3FB9] =	sst s0;
	s0 =	simm.s32 @!p2 $0x0  }
0x16: {  	s3 =	sld [smem:$0x3FDB];
	s0 =	simm.s32 @p2 $0x1  }
0x17: {  	s4 =	simm.s32 $0x1BF5;
	[smem:$0x3FBB] =	sst s0  }
0x18: {  	s0 =	sld [smem:$0x3F9E];
	_ =	swait.ge [sflag:s4], $0x0  }
0x19: {  	s7 =	sld [smem:$0x3F9F]  }
0x1a: {  	s8 =	sadd.s32 $0xFFFFE003, lr  }
0x1b: {  	s9 =	sadd.s32 $0xFFFFFEF7, lr;
	s5 =	simm.s32 $0xFFFFFFFF;
	p2 =	slt.u32 s8, $0xFFFFF086  }
0x1c: {  	p1 =	slt.u32 s9, $0xF7A;
	s5 =	simm.s32 @!p2 $0x0  }
0x1d: {  	s5 =	simm.s32 @p1 $0x1;
	p0 =	seq.s32 s7, s2  }
0x1e: {  	s7 =	smul.u32 @!p0 $0xF7A, s2;
	p2 =	seq.s32 @!p0 s5, $0x0  }
0x1f: {  	s9 =	smul.u32 $0xF7A, s1;
	s8 =	simm.s32 @!p0 $0x1BF5;
	p2 =	por !p2, p0  }
0x20: {  	[sflag:s8] =	ssyncset.s32 @!p0 $0xFFFFF086;
	s6 =	sadd.s32 @!p0 s3, s7;
	s7 =	simm.s32 @!p0 $0x108  }
0x21: {  	s3 =	sadd.s32 s3, s9;
	s6 =	sadd.s32 @!p0 $0x88, s6;
	s7 =	simm.s32 @p2 $0x1082  }
0x22: {  	[simem:s7], [sflag:s8] =	dma.local @!p0 [hbm:s6], $0xF7A  }
0x23: {  	s9 =	sor.u32 $0xD0000000, s2;
	s6 =	simm.s32 $0x108;
	_ =	swait.ge @!p0 [sflag:s8], $0x0  }
0x24: {  	s3 =	sadd.s32 $0x88, s3;
	s6 =	simm.s32 @!p1 $0x1082;
	[sflag:s4] =	ssyncset.s32 $0xFFFFF086  }
0x25: {  	[simem:s6], [sflag:s4] =	dma.local [hbm:s3], $0xF7A  }
0x26: {  	[smem:$0x3F9F] =	sst s1;
	(tag) =	ssettag s2;
	_ =	strace s9  }
0x27: {  	s1 =	sld [smem:$0x3FAF]  }
0x28: {  	s2 =	sld [smem:$0x3FB0]  }
0x29: {  	s4 =	sld [smem:$0x3FB2]  }
0x2a: {  	p0 =	seq.s32 s5, $0x0;
	s5 =	sld [smem:$0x3FB3]  }
0x2b: {  	s6 =	sld [smem:$0x3FB4]  }
0x2c: {  	s7 =	sld [smem:$0x3FB5]  }
0x2d: {  	s3 =	simm.s32 $0x108;
	s8 =	sld [smem:$0x3FB6]  }
0x2e: {  	s3 =	simm.s32 @!p0 $0x1082;
	s9 =	sld [smem:$0x3FB7]  }
0x2f: {  	lr =	sadd.s32 s0, s3;
	s0 =	sld [smem:$0x3FAE]  }
0x30: {  	s3 =	sld [smem:$0x3FB1]  }
0x31: {  	[smem:$0x3FBA] =	sst s10  }
0x32: {  	s10 =	sld [smem:$0x3FB8];
	_ =	sdelay $0x3  }
0x33: {  	p0 =	seq.s32 s10, $0x1;
	s10 =	sld [smem:$0x3FBA];
	_ =	sdelay $0x3  }
0x34: {  	[smem:$0x3FBA] =	sst s10  }
0x35: {  	s10 =	sld [smem:$0x3FB9];
	_ =	sdelay $0x3  }
0x36: {  	p1 =	seq.s32 s10, $0x1;
	s10 =	sld [smem:$0x3FBA];
	_ =	sdelay $0x3  }
0x37: {  	[smem:$0x3FBA] =	sst s10  }
0x38: {  	s10 =	sld [smem:$0x3FBB]  }
0x39: {  	_ = 	snop;
	(pc) =	sbr.ind lr, $3  }
0x3a: {  	_ = 	snop  }
0x3b: {  	_ = 	snop  }
0x3c: {  	p2 =	seq.s32 s10, $0x1;
	s10 =	sld [smem:$0x3FBA]  }
0x3d: {  	_ =	shalt  }
0x3e: {  	_ =	shalt  }
0x3f: {  	_ =	shalt  }
0x40: {  	_ =	shalt  }
0x41: {  	_ =	shalt  }
0x42: {  	_ =	shalt  }
0x43: {  	_ =	shalt  }
0x44: {  	_ =	shalt  }
0x45: {  	_ =	shalt  }
0x46: {  	_ =	shalt  }
0x47: {  	_ =	shalt  }
0x48: {  	_ =	shalt  }
0x49: {  	_ =	shalt  }
0x4a: {  	_ =	shalt  }
0x4b: {  	_ =	shalt  }
0x4c: {  	_ =	shalt  }
0x4d: {  	_ =	shalt  }
0x4e: {  	_ =	shalt  }
0x4f: {  	_ =	shalt  }
0x50: {  	_ =	shalt  }
0x51: {  	_ =	shalt  }
0x52: {  	_ =	shalt  }
0x53: {  	_ =	shalt  }
0x54: {  	_ =	shalt  }
0x55: {  	_ =	shalt  }
0x56: {  	_ =	shalt  }
0x57: {  	_ =	shalt  }
0x58: {  	_ =	shalt  }
0x59: {  	_ =	shalt  }
0x5a: {  	_ =	shalt  }
0x5b: {  	_ =	shalt  }
0x5c: {  	_ =	shalt  }
0x5d: {  	_ =	shalt  }
0x5e: {  	_ =	shalt  }
0x5f: {  	_ =	shalt  }
0x60: {  	_ =	shalt  }
0x61: {  	_ =	shalt  }
0x62: {  	_ =	shalt  }
0x63: {  	_ =	shalt  }
0x64: {  	_ =	shalt  }
0x65: {  	_ =	shalt  }
0x66: {  	_ =	shalt  }
0x67: {  	_ =	shalt  }
0x68: {  	_ =	shalt  }
0x69: {  	_ =	shalt  }
0x6a: {  	_ =	shalt  }
0x6b: {  	_ =	shalt  }
0x6c: {  	_ =	shalt  }
0x6d: {  	_ =	shalt  }
0x6e: {  	_ =	shalt  }
0x6f: {  	_ =	shalt  }
0x70: {  	_ =	shalt  }
0x71: {  	_ =	shalt  }
0x72: {  	_ =	shalt  }
0x73: {  	_ =	shalt  }
0x74: {  	_ =	shalt  }
0x75: {  	_ =	shalt  }
0x76: {  	_ =	shalt  }
0x77: {  	_ =	shalt  }
0x78: {  	_ =	shalt  }
0x79: {  	_ =	shalt  }
0x7a: {  	_ =	shalt  }
0x7b: {  	_ =	shalt  }
0x7c: {  	_ =	shalt  }
0x7d: {  	_ =	shalt  }
0x7e: {  	_ =	shalt  }
0x7f: {  	_ =	shalt  }
0x80: {  	_ =	shalt  }
0x81: {  	_ =	shalt  }
0x82: {  	_ =	shalt  }
0x83: {  	_ =	shalt  }
0x84: {  	_ =	shalt  }
0x85: {  	_ =	shalt  }
0x86: {  	_ =	shalt  }
0x87: {  	_ =	shalt  }
.Lfunc_end0:
.L_simem_size_0:
called_computation_lowered:
.L_overlay_start_0:
0x88: {  	s2 =	sld [smem:$0x3FD9]  }
0x89: {  	s3 =	sld [smem:$0x3FFE];
	_ =	sdelay $0x1  }
0x8a: {  	s1 =	srdreg.scid  }
0x8b: {  	s0 =	sand.u32 $0x1, s1  }
0x8c: {  	s17 =	sshll.u32 s0, $0xA;
	s2 =	sadd.s32 s3, s2  }
0x8d: {  	s2 =	sadd.s32 s2, s17  }
0x8e: {  	[smem:$0x3FC6] =	sst s2  }
0x8f: {  	_ = 	snop  }
0x90: {  	s2 =	sld [smem:$0x3FC9]  }
0x91: {  	s18 =	sld [smem:$0x3FD0];
	(tm) =	ssettm $0x1  }
0x92: {  	s4 =	sld [smem:$0x3FFB];
	_ =	sdelay $0x3  }
0x93: {  	_ =	strace s4  }
0x94: {  	s4 =	sld [smem:$0x3FFC];
	_ =	sdelay $0x3  }
0x95: {  	_ =	strace s4  }
0x96: {  	s4 =	sld [smem:$0x3FFD];
	_ =	sdelay $0x3  }
0x97: {  	_ =	strace s4  }
0x98: {  	_ =	strace $0x8FFFFFFF  }
0x99: {  	s19 =	sld [smem:$0x3FDB];
	_ =	sdelay $0x1  }
0x9a: {  	s5 =	simm.s32 $_scs_section_size  }
0x9b: {  	s6 =	simm.s32 $_size__tile_overlayer_lowered;
	s7 =	simm.s32 $_tile_overlayer_lowered  }
0x9c: {  	s22 =	simm.s32 $0x1BFF;
	s21 =	sshll.u32 s7, $0x1;
	s4 =	sadd.s32 s5, s19  }
0x9d: {  	s8 =	simm.s32 $0x0;
	s20 =	sshll.u32 s6, $0x1;
	s6 =	sadd.s32 s21, s4  }
0x9e: {  	[timem:s8], [sflag:s22] =	dma.local [hbm:s6], s20  }
0x9f: {  	_ =	swait.ge [sflag:s22], s20  }
0xa0: {  	s5 =	ssub.s32 $0x0, s20;
	[sflag:s22] =	ssyncset.done $0x0  }
0xa1: {  	[sflag:s22] =	ssyncadd.s32 s5;
	_ =	sdelay $0x1  }
0xa2: {  	s23 =	simm.s32 $0x1B8B  }
0xa3: {  	_ =	swait.ge [sflag:s23], $0x1  }
0xa4: {  	[sflag:s23] =	ssyncset.done $0x0  }
0xa5: {  	s25 =	simm.s32 $0x1B8E;
	s24 =	sld [smem:$0x3FFE];
	[sflag:s23] =	ssyncadd.s32 $0xFFFFFFFF  }
0xa6: {  	s26 =	simm.s32 $execute0_lowered;
	[smem:$0x3FD2] =	sst s25  }
0xa7: {  	s6 =	sshll.u32 s26, $0x1;
	_ =	strace $0x80000046;
	[dreg:$0x1] =	wrdreg $0xFFFFFFFF  }
0xa8: {  	s28 =	simm.s32 $_size_execute0_lowered;
	s4 =	sadd.s32 s4, s6;
	[dreg:$0x0] =	wrdreg $0x0  }
0xa9: {  	s6 =	sshll.u32 s28, $0x1;
	[dreg:$0x2] =	wrdreg s4  }
0xaa: {  	[dreg:$0x3] =	wrdreg s6  }
0xab: {  	[dreg:$0x4] =	wrdreg $0xC0  }
0xac: {  	_ =	task [dreg:s8], $0x5FFFF  }
0xad: {  	[dreg:$0x1] =	wrdreg $0xFFFFFFFF  }
0xae: {  	[dreg:$0x0] =	wrdreg $0x60  }
0xaf: {  	[dreg:$0x2] =	wrdreg s2  }
0xb0: {  	[dreg:$0x3] =	wrdreg s24  }
0xb1: {  	[dreg:$0x4] =	wrdreg s18  }
0xb2: {  	[dreg:$0x5] =	wrdreg $0x6C000  }
0xb3: {  	[dreg:$0x6] =	wrdreg $0x9  }
0xb4: {  	_ =	task.clear_ibuf [dreg:s8], $0x7FFFF;
	_ =	strace $0x90000046  }
0xb5: {  	s29 =	simm.s32 $0x9;
	_ =	strace $0x80000048  }
0xb6: {  	_ =	swait.ge [sflag:s29], $0x1  }
0xb7: {  	[sflag:s29] =	ssyncadd.s32 $0xFFFFFFFF  }
0xb8: {  	_ =	strace $0x90000048  }
0xb9: {  	_ =	sfence  }
0xba: {  	s30 =	sld [smem:$0x0];
	_ =	sdelay $0x2  }
0xbb: {  	s31 =	sshll.u32 s1, $0xD;
	s1 =	sshrl.u32 s1, $0x2  }
0xbc: {  	s3 =	sand.u32 $0x4000, s31;
	s1 =	sadd.s32 s1, s30  }
0xbd: {  	s0 =	sor.u32 s3, s0;
	s1 =	sshll.u32 s1, $0x11  }
0xbe: {  	s0 =	sor.u32 s1, s0  }
0xbf: {  	s0 =	sadd.s32 $0x8F2B, s0  }
0xc0: {  	[sflag:s0] =	ssyncadd.remote.s32 $0x1  }
0xc1: {  	_ =	sfence.sel $0xFFFF  }
0xc2: {  	[dreg:$0x0] =	wrdreg $0xFFFFFFFF;
	(pc) =	sbr.abs _section_cstart, $3  }
0xc3: {  	[dreg:$0x1] =	wrdreg $0xFFFFFFFF  }
0xc4: {  	_ =	task.clear_ibuf [dreg:s8], $0x2FFFF;
	_ =	strace $0x9FFFFFFF  }
0xc5: {  	(tm) =	ssettm $0x7FFFFFFF  }
tec
execute0_lowered:
.L_overlay_start_1:
0x0: {  	(tag) =	ssettag $0x1  }
0x1: {  	s0 =	rddreg [dreg:$0x0]  }
0x2: {  	s1 =	rddreg [dreg:$0x1]  }
0x3: {  	s3 =	srdreg.scid;
	s2 =	rddreg [dreg:$0x2]  }
0x4: {  	s7 =	stileid.u32;
	s8 =	simm.s32 $0x0;
	s17 =	simm.s32 $0x9  }
0x5: {  	s18 =	simm.s32 $0x80;
	s20 =	simm.s32 $0x6D88;
	s22 =	simm.s32 $0xAD88  }
0x6: {  	s28 =	simm.s32 $0x400;
	s29 =	simm.s32 $0x3800;
	s30 =	simm.s32 $0x2  }
0x7: {  	s31 =	simm.s32 $0x3;
	s15 =	simm.s32 $0x7;
	s16 =	simm.s32 $0x8  }
0x8: {  	s19 =	simm.s32 $0x0;
	s4 =	sand.u32 $0x1, s3;
	s3 =	rddreg [dreg:$0x3]  }
0x9: {  	s5 =	sshll.u32 s7, $0xA;
	[smem:$0x7FF] =	sst s8;
	s1 =	sadd.s32 $0x400, s1  }
0xa: {  	s7 =	sshll.u32 s7, $0x6;
	s6 =	sshll.u32 s4, $0x9;
	_ =	strace $0x80000047  }
0xb: {  	s4 =	ssub.s32 $0x2, s4;
	[dreg:$0x5] =	wrdreg s1;
	s25 =	sor.u32 $0x1C09, s7  }
0xc: {  	s14 =	sshrl.u32 s3, $0x3;
	s6 =	sor.u32 s6, s5;
	s24 =	sshrl.u32 s4, $0x1  }
0xd: {  	[dreg:$0x6] =	wrdreg s25;
	s25 =	simm.s32 $0x1;
	s5 =	sshrl.u32 s6, $0x3  }
0xe: {  	s1 =	ssub.s32 s4, s24;
	s0 =	sadd.s32 s0, s6;
	s5 =	smul.u32 $0x3800, s5  }
.Ltmp0:
0xf: {  	s24 =	simm.s32 $0xED88;
	s4 =	simm.s32 $0x6;
	(pc) =	sbr.rel .LBB2_1-.Ltmp0, $4  }
0x10: {  	[dreg:$0x7] =	wrdreg s0;
	s1 =	smax.u32 s1, $0x1;
	s8 =	sadd.s32 $0x38000, s5  }
0x11: {  	[dreg:$0x8] =	wrdreg s1;
	s1 =	simm.s32 $0x4;
	s26 =	sshrl.u32 s8, $0x3  }
0x12: {  	s10 =	sadd.s32 $0x70000, s5;
	s11 =	sadd.s32 $0xA8000, s5;
	s0 =	sadd.s32 s26, s2  }
0x13: {  	s26 =	simm.s32 $0x12D88;
	s13 =	sadd.s32 $0x680, s0;
	s0 =	simm.s32 $0x5  }
.LBB2_8:
0x14: {  	_ =	swait.ge [sflag:s0], $0x4000  }
0x15: {  	[sflag:s0] =	ssyncset.done $0x0  }
0x16: {  	[sflag:s0] =	ssyncadd.s32 $0xFFFFC000  }
0x17: {  	_ =	swait.ge [sflag:s4], $0x4000  }
0x18: {  	[sflag:s4] =	ssyncset.done $0x0  }
0x19: {  	[sflag:s4] =	ssyncadd.s32 $0xFFFFC000  }
0x1a: {  	_ =	swait.ge [sflag:s15], $0x4000  }
0x1b: {  	[sflag:s15] =	ssyncset.done $0x0  }
0x1c: {  	[sflag:s15] =	ssyncadd.s32 $0xFFFFC000  }
0x1d: {  	_ =	swait.ge [sflag:s16], $0x4000  }
0x1e: {  	s19 =	sadd.s32 $0x1, s19;
	s6 =	rddreg [dreg:$0x8]  }
0x1f: {  	p0 =	sne.s32 s19, s6  }
.Ltmp1:
0x20: {  	_ = 	snop;
	(pc) =	sbr.rel @!p0 .LBB2_9-.Ltmp1, $3  }
0x21: {  	_ =	sdelay $0x1  }
0x22: {  	[sflag:s16] =	ssyncset.done $0x0  }
0x23: {  	[sflag:s16] =	ssyncadd.s32 $0xFFFFC000  }
.LBB2_1:
0x24: {  	s6 =	rddreg [dreg:$0x5]  }
0x25: {  	s7 =	rddreg [dreg:$0x6];
	s23 =	simm.s32 $0x0  }
0x26: {  	[spmem:s14], [sflag:s7] =	dma.local [hbm:s6], $0x310  }
0x27: {  	s9 =	simm.s32 $0x1000;
	s12 =	simm.s32 $0x20000;
	s7 =	rddreg [dreg:$0x7]  }
0x28: {  	[tilespmem:s23], [sflag:$0x9] =	stream.strided.gather [hbm4b:s7+s9], $0x5000, s12, s9, $0x38;
	[tilespmem:$0x16D88] =	vst v63  }
0x29: {  	_ =	swait.ge [sflag:s17], $0x310  }
0x2a: {  	[sflag:s17] =	ssyncset.done $0x0  }
0x2b: {  	[sflag:s17] =	ssyncadd.s32 $0xFFFFFCF0  }
0x2c: {  	_ =	swait.ge [sflag:s17], $0x5000  }
0x2d: {  	[sflag:s17] =	ssyncset.done $0x0  }
0x2e: {  	[sflag:s17] =	ssyncadd.s32 $0xFFFFB000  }
0x2f: {  	v0 =	vld [tilespmem:$0x80]  }
0x30: {  	v1 =	vld [tilespmem:$0x100]  }
0x31: {  	v2 =	vld [tilespmem:$0x90]  }
0x32: {  	v3 =	vld [tilespmem:$0x110]  }
0x33: {  	v4 =	vld [tilespmem:$0xA0]  }
0x34: {  	v5 =	vld [tilespmem:$0x120]  }
0x35: {  	v6 =	vld [tilespmem:$0xB0]  }
0x36: {  	v7 =	vld [tilespmem:$0x130]  }
0x37: {  	v8 =	vld [tilespmem:$0xC0]  }
0x38: {  	v9 =	vld [tilespmem:$0x140]  }
0x39: {  	v10 =	vld [tilespmem:$0xD0]  }
0x3a: {  	v11 =	vld [tilespmem:$0x150];
	v0 =	vmul.u32 $0x7, v0  }
0x3b: {  	v12 =	vld [tilespmem:$0xE0];
	v2 =	vmul.u32 $0x7, v2  }
0x3c: {  	v39 =	vld [tilespmem:$0xF0];
	v38 =	vmul.u32 $0x7, v4;
	v0 =	vadd.s32 v1, v0  }
0x3d: {  	v42 =	vld [tilespmem:$0x160];
	v41 =	vmul.u32 $0x7, v6;
	v40 =	vadd.s32 v3, v2;
	[tilespmem:$0x5000] =	vst v0  }
0x3e: {  	v45 =	vld [tilespmem:$0x170];
	v44 =	vmul.u32 $0x7, v8;
	v43 =	vadd.s32 v5, v38;
	[tilespmem:$0x5010] =	vst v40  }
0x3f: {  	v47 =	vmul.u32 $0x7, v10;
	v46 =	vadd.s32 v7, v41;
	[tilespmem:$0x5020] =	vst v43  }
0x40: {  	v49 =	vmul.u32 $0x7, v12;
	v48 =	vadd.s32 v9, v44;
	[tilespmem:$0x5030] =	vst v46  }
0x41: {  	v51 =	vmul.u32 $0x7, v39;
	v50 =	vadd.s32 v11, v47;
	[tilespmem:$0x5040] =	vst v48  }
0x42: {  	v52 =	vadd.s32 v42, v49;
	[tilespmem:$0x5050] =	vst v50  }
0x43: {  	v53 =	vadd.s32 v45, v51;
	[tilespmem:$0x5060] =	vst v52  }
0x44: {  	s12 =	simm.s32 $0x5000;
	[tilespmem:$0x5070] =	vst v53  }
0x45: {  	[tilespmem:s20], [sflag:$0x1] =	stream.indirect.gather [spmem:s3], $0x80, s12, s18, $0xb8;
	[tilespmem:$0x16D88] =	vst v63  }
0x46: {  	v54 =	vld [tilespmem:$0x480]  }
0x47: {  	v55 =	vld [tilespmem:$0x500]  }
0x48: {  	v56 =	vld [tilespmem:$0x490]  }
0x49: {  	v57 =	vld [tilespmem:$0x510]  }
0x4a: {  	v58 =	vld [tilespmem:$0x4A0]  }
0x4b: {  	v59 =	vld [tilespmem:$0x520]  }
0x4c: {  	v60 =	vld [tilespmem:$0x4B0]  }
0x4d: {  	v61 =	vld [tilespmem:$0x530]  }
0x4e: {  	v62 =	vld [tilespmem:$0x4C0]  }
0x4f: {  	v63 =	vld [tilespmem:$0x540]  }
0x50: {  	v16 =	vld [tilespmem:$0x4D0]  }
0x51: {  	v17 =	vld [tilespmem:$0x550];
	v0 =	vmul.u32 $0x7, v54  }
0x52: {  	v18 =	vld [tilespmem:$0x4E0];
	v2 =	vmul.u32 $0x7, v56  }
0x53: {  	v20 =	vld [tilespmem:$0x4F0];
	v19 =	vmul.u32 $0x7, v58;
	v0 =	vadd.s32 v55, v0  }
0x54: {  	v23 =	vld [tilespmem:$0x560];
	v22 =	vmul.u32 $0x7, v60;
	v21 =	vadd.s32 v57, v2;
	[tilespmem:$0x5080] =	vst v0  }
0x55: {  	v26 =	vld [tilespmem:$0x570];
	v25 =	vmul.u32 $0x7, v62;
	v24 =	vadd.s32 v59, v19;
	[tilespmem:$0x5090] =	vst v21  }
0x56: {  	v28 =	vmul.u32 $0x7, v16;
	v27 =	vadd.s32 v61, v22;
	[tilespmem:$0x50A0] =	vst v24  }
0x57: {  	v30 =	vmul.u32 $0x7, v18;
	v29 =	vadd.s32 v63, v25;
	[tilespmem:$0x50B0] =	vst v27  }
0x58: {  	v32 =	vmul.u32 $0x7, v20;
	v31 =	vadd.s32 v17, v28;
	[tilespmem:$0x50C0] =	vst v29  }
0x59: {  	v33 =	vadd.s32 v23, v30;
	[tilespmem:$0x50D0] =	vst v31  }
0x5a: {  	v34 =	vadd.s32 v26, v32;
	[tilespmem:$0x50E0] =	vst v33  }
0x5b: {  	s21 =	simm.s32 $0x5080;
	[tilespmem:$0x50F0] =	vst v34  }
0x5c: {  	[tilespmem:s22], [sflag:$0x2] =	stream.indirect.gather [spmem:s3], $0x80, s21, s18, $0xb8;
	[tilespmem:$0x16D88] =	vst v63  }
0x5d: {  	v35 =	vld [tilespmem:$0x880]  }
0x5e: {  	v36 =	vld [tilespmem:$0x900]  }
0x5f: {  	v37 =	vld [tilespmem:$0x890]  }
0x60: {  	v38 =	vld [tilespmem:$0x910]  }
0x61: {  	v39 =	vld [tilespmem:$0x8A0]  }
0x62: {  	v40 =	vld [tilespmem:$0x920]  }
0x63: {  	v41 =	vld [tilespmem:$0x8B0]  }
0x64: {  	v42 =	vld [tilespmem:$0x930]  }
0x65: {  	v43 =	vld [tilespmem:$0x8C0]  }
0x66: {  	v44 =	vld [tilespmem:$0x940]  }
0x67: {  	v45 =	vld [tilespmem:$0x8D0]  }
0x68: {  	v46 =	vld [tilespmem:$0x950];
	v0 =	vmul.u32 $0x7, v35  }
0x69: {  	v47 =	vld [tilespmem:$0x8E0];
	v2 =	vmul.u32 $0x7, v37  }
0x6a: {  	v49 =	vld [tilespmem:$0x8F0];
	v48 =	vmul.u32 $0x7, v39;
	v0 =	vadd.s32 v36, v0  }
0x6b: {  	v52 =	vld [tilespmem:$0x960];
	v51 =	vmul.u32 $0x7, v41;
	v50 =	vadd.s32 v38, v2;
	[tilespmem:$0x5100] =	vst v0  }
0x6c: {  	v55 =	vld [tilespmem:$0x970];
	v54 =	vmul.u32 $0x7, v43;
	v53 =	vadd.s32 v40, v48;
	[tilespmem:$0x5110] =	vst v50  }
0x6d: {  	v57 =	vmul.u32 $0x7, v45;
	v56 =	vadd.s32 v42, v51;
	[tilespmem:$0x5120] =	vst v53  }
0x6e: {  	v59 =	vmul.u32 $0x7, v47;
	v58 =	vadd.s32 v44, v54;
	[tilespmem:$0x5130] =	vst v56  }
.Ltmp2:
0x6f: {  	v61 =	vmul.u32 $0x7, v49;
	v60 =	vadd.s32 v46, v57;
	[tilespmem:$0x5140] =	vst v58;
	(pc) =	sbr.rel .LBB2_2-.Ltmp2, $4  }
0x70: {  	v62 =	vadd.s32 v52, v59;
	[tilespmem:$0x5150] =	vst v60  }
0x71: {  	v63 =	vadd.s32 v55, v61;
	[tilespmem:$0x5160] =	vst v62  }
0x72: {  	s6 =	simm.s32 $0x0;
	s23 =	simm.s32 $0x5100;
	[tilespmem:$0x5170] =	vst v63  }
0x73: {  	[tilespmem:s24], [sflag:$0x3] =	stream.indirect.gather [spmem:s3], $0x80, s23, s18, $0xb8;
	[tilespmem:$0x16D88] =	vst v63  }
.LBB2_7:
0x74: {  	p0 =	sne.s32 s21, $0xE  }
.Ltmp3:
0x75: {  	s6 =	sadd.s32 s11, s23;
	(pc) =	sbr.rel @!p0 .LBB2_8-.Ltmp3, $4  }
0x76: {  	s6 =	sshrl.u32 s6, $0x3  }
0x77: {  	s6 =	sadd.s32 s2, s6  }
0x78: {  	[hbm4b:s6+s28] =	stream.strided.scatter [tilespmem:s26], [sflag:$0x8], $0x4000, s29, s28, $0x38;
	[tilespmem:$0x16D88] =	vst v63  }
0x79: {  	s6 =	smov.u32 s21  }
.LBB2_2:
0x7a: {  	s21 =	sshrl.u32 s6, $0x1  }
0x7b: {  	s23 =	sshll.u32 s6, $0x1;
	s21 =	smul.u32 $0x5, s21  }
0x7c: {  	s23 =	sand.u32 $0x2, s23  }
0x7d: {  	_ =	swait.ge [sflag:s25], $0x4000;
	s21 =	sadd.s32 s23, s21  }
0x7e: {  	[sflag:s25] =	ssyncset.done $0x0;
	s23 =	sadd.s32 $0x1, s21  }
0x7f: {  	[sflag:s25] =	ssyncadd.s32 $0xFFFFC000;
	s7 =	sshll.u32 s23, $0x9;
	s23 =	sshll.u32 s23, $0x7  }
0x80: {  	s21 =	sadd.s32 $0x2, s21;
	s7 =	sand.u32 $0x7FFFF000, s7;
	s23 =	sand.u32 $0x380, s23  }
0x81: {  	s12 =	sshll.u32 s21, $0x9;
	s21 =	sshll.u32 s21, $0x7;
	s7 =	sor.u32 s23, s7  }
0x82: {  	s21 =	sand.u32 $0x380, s21;
	s23 =	sand.u32 $0x7FFFF000, s12;
	v0 =	vld [tilespmem:s7+$0xC00]  }
0x83: {  	s21 =	sor.u32 s21, s23  }
0x84: {  	v1 =	vld [tilespmem:s21+$0xC00];
	_ =	sdelay $0x2  }
0x85: {  	v0 =	vmul.u32 $0x7, v0  }
0x86: {  	s9 =	sshll.u32 s6, $0x9  }
0x87: {  	s23 =	sand.u32 $0x3FFFFE00, s9;
	v0 =	vadd.s32 v1, v0  }
0x88: {  	[tilespmem:s23+$0x5180] =	vst v0  }
0x89: {  	v0 =	vld [tilespmem:s7+$0xC10];
	_ =	sdelay $0x1  }
0x8a: {  	v57 =	vld [tilespmem:s21+$0xC10];
	_ =	sdelay $0x2  }
0x8b: {  	v0 =	vmul.u32 $0x7, v0;
	_ =	sdelay $0x1  }
0x8c: {  	v0 =	vadd.s32 v57, v0  }
0x8d: {  	[tilespmem:s23+$0x5190] =	vst v0  }
0x8e: {  	v0 =	vld [tilespmem:s7+$0xC20];
	_ =	sdelay $0x1  }
0x8f: {  	v58 =	vld [tilespmem:s21+$0xC20];
	_ =	sdelay $0x2  }
0x90: {  	v0 =	vmul.u32 $0x7, v0;
	_ =	sdelay $0x1  }
0x91: {  	v0 =	vadd.s32 v58, v0  }
0x92: {  	[tilespmem:s23+$0x51A0] =	vst v0  }
0x93: {  	v0 =	vld [tilespmem:s7+$0xC30];
	_ =	sdelay $0x1  }
0x94: {  	v59 =	vld [tilespmem:s21+$0xC30];
	_ =	sdelay $0x2  }
0x95: {  	v0 =	vmul.u32 $0x7, v0;
	_ =	sdelay $0x1  }
0x96: {  	v0 =	vadd.s32 v59, v0  }
0x97: {  	[tilespmem:s23+$0x51B0] =	vst v0  }
0x98: {  	v0 =	vld [tilespmem:s7+$0xC40];
	_ =	sdelay $0x1  }
0x99: {  	v60 =	vld [tilespmem:s21+$0xC40];
	_ =	sdelay $0x2  }
0x9a: {  	v0 =	vmul.u32 $0x7, v0;
	_ =	sdelay $0x1  }
0x9b: {  	v0 =	vadd.s32 v60, v0  }
0x9c: {  	[tilespmem:s23+$0x51C0] =	vst v0  }
0x9d: {  	v0 =	vld [tilespmem:s7+$0xC50];
	_ =	sdelay $0x1  }
0x9e: {  	v61 =	vld [tilespmem:s21+$0xC50];
	_ =	sdelay $0x2  }
0x9f: {  	v0 =	vmul.u32 $0x7, v0;
	_ =	sdelay $0x1  }
0xa0: {  	v0 =	vadd.s32 v61, v0  }
0xa1: {  	[tilespmem:s23+$0x51D0] =	vst v0  }
0xa2: {  	v0 =	vld [tilespmem:s7+$0xC60];
	_ =	sdelay $0x1  }
0xa3: {  	v62 =	vld [tilespmem:s21+$0xC60];
	_ =	sdelay $0x2  }
0xa4: {  	v0 =	vmul.u32 $0x7, v0;
	_ =	sdelay $0x1  }
0xa5: {  	v0 =	vadd.s32 v62, v0  }
0xa6: {  	[tilespmem:s23+$0x51E0] =	vst v0  }
0xa7: {  	v0 =	vld [tilespmem:s7+$0xC70];
	_ =	sdelay $0x1  }
0xa8: {  	v63 =	vld [tilespmem:s21+$0xC70];
	_ =	sdelay $0x2  }
0xa9: {  	v0 =	vmul.u32 $0x7, v0;
	_ =	sdelay $0x1  }
0xaa: {  	p0 =	seq.s32 s6, $0x0;
	v0 =	vadd.s32 v63, v0  }
0xab: {  	s7 =	simm.s32 @!p0 $0x8;
	[tilespmem:s23+$0x51F0] =	vst v0  }
0xac: {  	s12 =	sadd.s32 $0x5180, s23;
	s23 =	sshll.u32 s6, $0xA;
	_ =	swait.ge @!p0 [sflag:s7], $0x4000  }
0xad: {  	s21 =	sor.u32 s5, s23;
	[sflag:s7] =	ssyncset.done @!p0 $0x0  }
0xae: {  	[sflag:s7] =	ssyncadd.s32 @!p0 $0xFFFFC000;
	s7 =	sshrl.u32 s21, $0x3;
	p0 =	seq.s32 s6, $0xD  }
0xaf: {  	[tilespmem:s26], [sflag:$0x4] =	stream.indirect.gather [spmem:s3], $0x80, s12, s18, $0xb8;
	[tilespmem:$0x16D88] =	vst v63  }
.Ltmp4:
0xb0: {  	s7 =	sadd.s32 s2, s7;
	(pc) =	sbr.rel @!p0 .LBB2_3-.Ltmp4, $4  }
0xb1: {  	[hbm4b:s7+s28] =	stream.strided.scatter [tilespmem:s20], [sflag:$0x5], $0x4000, s29, s28, $0x38;
	[tilespmem:$0x16D88] =	vst v63  }
0xb2: {  	_ =	swait.ge [sflag:s30], $0x4000  }
0xb3: {  	[sflag:s30] =	ssyncset.done $0x0  }
0xb4: {  	[sflag:s30] =	ssyncadd.s32 $0xFFFFC000  }
.Ltmp5:
0xb5: {  	(pc) =	sbr.rel .LBB2_5-.Ltmp5, $4  }
0xb6: {  	[hbm4b:s13+s28] =	stream.strided.scatter [tilespmem:s22], [sflag:$0x6], $0x4000, s29, s28, $0x38;
	[tilespmem:$0x16D88] =	vst v63  }
0xb7: {  	_ =	swait.ge [sflag:s31], $0x4000  }
0xb8: {  	[sflag:s31] =	ssyncset.done $0x0  }
0xb9: {  	[sflag:s31] =	ssyncadd.s32 $0xFFFFC000  }
.LBB2_3:
0xba: {  	s7 =	sshll.u32 s6, $0x2  }
0xbb: {  	s7 =	sadd.s32 $0x4, s7  }
0xbc: {  	s21 =	sshrl.u32 s7, $0x3  }
0xbd: {  	s9 =	sshrl.u32 s7, $0x1;
	s21 =	smul.u32 $0x5, s21  }
0xbe: {  	s9 =	sand.u32 $0x2, s9  }
0xbf: {  	s9 =	sadd.s32 s9, s21  }
0xc0: {  	s21 =	sadd.s32 $0x1, s9  }
0xc1: {  	s12 =	sshll.u32 s21, $0x9;
	s21 =	sshll.u32 s21, $0x7  }
0xc2: {  	s9 =	sadd.s32 $0x2, s9;
	s12 =	sand.u32 $0x7FFFF000, s12;
	s21 =	sand.u32 $0x380, s21  }
0xc3: {  	s12 =	sor.u32 s21, s12;
	s21 =	sshll.u32 s9, $0x9;
	s9 =	sshll.u32 s9, $0x7  }
0xc4: {  	v0 =	vld [tilespmem:s12+$0x0];
	s21 =	sand.u32 $0x7FFFF000, s21;
	s9 =	sand.u32 $0x380, s9  }
0xc5: {  	s9 =	sor.u32 s9, s21  }
0xc6: {  	v1 =	vld [tilespmem:s9+$0x0];
	_ =	sdelay $0x2  }
0xc7: {  	v0 =	vmul.u32 $0x7, v0  }
0xc8: {  	s7 =	sshll.u32 s7, $0x7  }
0xc9: {  	s7 =	sand.u32 $0x3FFFFF80, s7;
	v0 =	vadd.s32 v1, v0  }
0xca: {  	[tilespmem:s7+$0x5000] =	vst v0  }
0xcb: {  	v0 =	vld [tilespmem:s12+$0x10];
	_ =	sdelay $0x1  }
0xcc: {  	v48 =	vld [tilespmem:s9+$0x10];
	_ =	sdelay $0x2  }
0xcd: {  	v0 =	vmul.u32 $0x7, v0;
	_ =	sdelay $0x1  }
0xce: {  	v0 =	vadd.s32 v48, v0  }
0xcf: {  	[tilespmem:s7+$0x5010] =	vst v0  }
0xd0: {  	v0 =	vld [tilespmem:s12+$0x20];
	_ =	sdelay $0x1  }
0xd1: {  	v49 =	vld [tilespmem:s9+$0x20];
	_ =	sdelay $0x2  }
0xd2: {  	v0 =	vmul.u32 $0x7, v0;
	_ =	sdelay $0x1  }
0xd3: {  	v0 =	vadd.s32 v49, v0  }
0xd4: {  	[tilespmem:s7+$0x5020] =	vst v0  }
0xd5: {  	v0 =	vld [tilespmem:s12+$0x30];
	_ =	sdelay $0x1  }
0xd6: {  	v50 =	vld [tilespmem:s9+$0x30];
	_ =	sdelay $0x2  }
0xd7: {  	v0 =	vmul.u32 $0x7, v0;
	_ =	sdelay $0x1  }
0xd8: {  	v0 =	vadd.s32 v50, v0  }
0xd9: {  	[tilespmem:s7+$0x5030] =	vst v0  }
0xda: {  	v0 =	vld [tilespmem:s12+$0x40];
	_ =	sdelay $0x1  }
0xdb: {  	v51 =	vld [tilespmem:s9+$0x40];
	_ =	sdelay $0x2  }
0xdc: {  	v0 =	vmul.u32 $0x7, v0;
	_ =	sdelay $0x1  }
0xdd: {  	v0 =	vadd.s32 v51, v0  }
0xde: {  	[tilespmem:s7+$0x5040] =	vst v0  }
0xdf: {  	v0 =	vld [tilespmem:s12+$0x50];
	_ =	sdelay $0x1  }
0xe0: {  	v52 =	vld [tilespmem:s9+$0x50];
	_ =	sdelay $0x2  }
0xe1: {  	v0 =	vmul.u32 $0x7, v0;
	_ =	sdelay $0x1  }
0xe2: {  	v0 =	vadd.s32 v52, v0  }
0xe3: {  	[tilespmem:s7+$0x5050] =	vst v0  }
0xe4: {  	v0 =	vld [tilespmem:s12+$0x60];
	_ =	sdelay $0x1  }
0xe5: {  	v53 =	vld [tilespmem:s9+$0x60];
	_ =	sdelay $0x2  }
0xe6: {  	v0 =	vmul.u32 $0x7, v0;
	_ =	sdelay $0x1  }
0xe7: {  	v0 =	vadd.s32 v53, v0  }
0xe8: {  	[tilespmem:s7+$0x5060] =	vst v0  }
0xe9: {  	v0 =	vld [tilespmem:s12+$0x70];
	_ =	sdelay $0x1  }
0xea: {  	v54 =	vld [tilespmem:s9+$0x70];
	_ =	sdelay $0x2  }
0xeb: {  	v0 =	vmul.u32 $0x7, v0;
	_ =	sdelay $0x1  }
0xec: {  	v0 =	vadd.s32 v54, v0  }
0xed: {  	[tilespmem:s7+$0x5070] =	vst v0  }
0xee: {  	_ =	swait.ge [sflag:s0], $0x4000  }
0xef: {  	[sflag:s0] =	ssyncset.done $0x0  }
0xf0: {  	s9 =	sadd.s32 s8, s23;
	s7 =	sadd.s32 $0x5000, s7;
	[sflag:s0] =	ssyncadd.s32 $0xFFFFC000  }
0xf1: {  	[tilespmem:s20], [sflag:$0x1] =	stream.indirect.gather [spmem:s3], $0x80, s7, s18, $0xb8;
	[tilespmem:$0x16D88] =	vst v63  }
0xf2: {  	s7 =	sshrl.u32 s9, $0x3  }
0xf3: {  	s7 =	sadd.s32 s2, s7  }
0xf4: {  	[hbm4b:s7+s28] =	stream.strided.scatter [tilespmem:s22], [sflag:$0x6], $0x4000, s29, s28, $0x38;
	[tilespmem:$0x16D88] =	vst v63  }
0xf5: {  	s7 =	sadd.s32 $0x1, s6  }
0xf6: {  	s12 =	sshrl.u32 s7, $0x1  }
0xf7: {  	s21 =	sshll.u32 s7, $0x1;
	s9 =	smul.u32 $0x5, s12  }
0xf8: {  	s12 =	sand.u32 $0x2, s21  }
0xf9: {  	_ =	swait.ge [sflag:s31], $0x4000;
	s9 =	sadd.s32 s12, s9  }
0xfa: {  	[sflag:s31] =	ssyncset.done $0x0;
	s12 =	sadd.s32 $0x1, s9  }
0xfb: {  	[sflag:s31] =	ssyncadd.s32 $0xFFFFC000;
	s21 =	sshll.u32 s12, $0x9;
	s12 =	sshll.u32 s12, $0x7  }
0xfc: {  	s9 =	sadd.s32 $0x2, s9;
	s21 =	sand.u32 $0x7FFFF000, s21;
	s12 =	sand.u32 $0x380, s12  }
0xfd: {  	s12 =	sor.u32 s12, s21;
	s21 =	sshll.u32 s9, $0x9;
	s9 =	sshll.u32 s9, $0x7  }
0xfe: {  	v55 =	vld [tilespmem:s12+$0x400];
	s21 =	sand.u32 $0x7FFFF000, s21;
	s9 =	sand.u32 $0x380, s9  }
0xff: {  	s9 =	sor.u32 s9, s21  }
0x100: {  	v56 =	vld [tilespmem:s9+$0x400];
	_ =	sdelay $0x2  }
0x101: {  	v0 =	vmul.u32 $0x7, v55  }
0x102: {  	s7 =	sshll.u32 s7, $0x9  }
0x103: {  	s7 =	sand.u32 $0x3FFFFE00, s7;
	v0 =	vadd.s32 v56, v0  }
0x104: {  	[tilespmem:s7+$0x5080] =	vst v0  }
0x105: {  	v0 =	vld [tilespmem:s12+$0x410];
	_ =	sdelay $0x1  }
0x106: {  	v57 =	vld [tilespmem:s9+$0x410];
	_ =	sdelay $0x2  }
0x107: {  	v0 =	vmul.u32 $0x7, v0;
	_ =	sdelay $0x1  }
0x108: {  	v0 =	vadd.s32 v57, v0  }
0x109: {  	[tilespmem:s7+$0x5090] =	vst v0  }
0x10a: {  	v0 =	vld [tilespmem:s12+$0x420];
	_ =	sdelay $0x1  }
0x10b: {  	v58 =	vld [tilespmem:s9+$0x420];
	_ =	sdelay $0x2  }
0x10c: {  	v0 =	vmul.u32 $0x7, v0;
	_ =	sdelay $0x1  }
0x10d: {  	v0 =	vadd.s32 v58, v0  }
0x10e: {  	[tilespmem:s7+$0x50A0] =	vst v0  }
0x10f: {  	v0 =	vld [tilespmem:s12+$0x430];
	_ =	sdelay $0x1  }
0x110: {  	v59 =	vld [tilespmem:s9+$0x430];
	_ =	sdelay $0x2  }
0x111: {  	v0 =	vmul.u32 $0x7, v0;
	_ =	sdelay $0x1  }
0x112: {  	v0 =	vadd.s32 v59, v0  }
0x113: {  	[tilespmem:s7+$0x50B0] =	vst v0  }
0x114: {  	v0 =	vld [tilespmem:s12+$0x440];
	_ =	sdelay $0x1  }
0x115: {  	v60 =	vld [tilespmem:s9+$0x440];
	_ =	sdelay $0x2  }
0x116: {  	v0 =	vmul.u32 $0x7, v0;
	_ =	sdelay $0x1  }
0x117: {  	v0 =	vadd.s32 v60, v0  }
0x118: {  	[tilespmem:s7+$0x50C0] =	vst v0  }
0x119: {  	v0 =	vld [tilespmem:s12+$0x450];
	_ =	sdelay $0x1  }
0x11a: {  	v61 =	vld [tilespmem:s9+$0x450];
	_ =	sdelay $0x2  }
0x11b: {  	v0 =	vmul.u32 $0x7, v0;
	_ =	sdelay $0x1  }
0x11c: {  	v0 =	vadd.s32 v61, v0  }
0x11d: {  	[tilespmem:s7+$0x50D0] =	vst v0  }
0x11e: {  	v0 =	vld [tilespmem:s12+$0x460];
	_ =	sdelay $0x1  }
0x11f: {  	v62 =	vld [tilespmem:s9+$0x460];
	_ =	sdelay $0x2  }
0x120: {  	v0 =	vmul.u32 $0x7, v0;
	_ =	sdelay $0x1  }
0x121: {  	v0 =	vadd.s32 v62, v0  }
0x122: {  	[tilespmem:s7+$0x50E0] =	vst v0  }
0x123: {  	v0 =	vld [tilespmem:s12+$0x470];
	_ =	sdelay $0x1  }
0x124: {  	v63 =	vld [tilespmem:s9+$0x470];
	_ =	sdelay $0x2  }
0x125: {  	v0 =	vmul.u32 $0x7, v0;
	_ =	sdelay $0x1  }
0x126: {  	v0 =	vadd.s32 v63, v0  }
0x127: {  	[tilespmem:s7+$0x50F0] =	vst v0  }
0x128: {  	_ =	swait.ge [sflag:s4], $0x4000  }
0x129: {  	[sflag:s4] =	ssyncset.done $0x0  }
0x12a: {  	s7 =	sadd.s32 $0x5080, s7;
	[sflag:s4] =	ssyncadd.s32 $0xFFFFC000  }
0x12b: {  	[tilespmem:s22], [sflag:$0x2] =	stream.indirect.gather [spmem:s3], $0x80, s7, s18, $0xb8;
	[tilespmem:$0x16D88] =	vst v63  }
.LBB2_5:
0x12c: {  	s7 =	sadd.s32 s10, s23  }
0x12d: {  	s7 =	sshrl.u32 s7, $0x3  }
.Ltmp6:
0x12e: {  	s7 =	sadd.s32 s2, s7;
	(pc) =	sbr.rel @p0 .LBB2_7-.Ltmp6, $4  }
0x12f: {  	[hbm4b:s7+s28] =	stream.strided.scatter [tilespmem:s24], [sflag:$0x7], $0x4000, s29, s28, $0x38;
	[tilespmem:$0x16D88] =	vst v63  }
0x130: {  	_ =	swait.ge [sflag:s1], $0x4000  }
0x131: {  	[sflag:s1] =	ssyncset.done $0x0  }
0x132: {  	s21 =	simm.s32 $0xE;
	[sflag:s1] =	ssyncadd.s32 $0xFFFFC000  }
0x133: {  	s21 =	sadd.s32 $0x1, s6  }
0x134: {  	s6 =	sshrl.u32 s21, $0x1  }
0x135: {  	s7 =	sshll.u32 s21, $0x1;
	s6 =	smul.u32 $0x5, s6  }
0x136: {  	s7 =	sand.u32 $0x2, s7  }
0x137: {  	s6 =	sadd.s32 s7, s6  }
0x138: {  	s7 =	sadd.s32 $0x1, s6  }
0x139: {  	s9 =	sshll.u32 s7, $0x9;
	s7 =	sshll.u32 s7, $0x7  }
0x13a: {  	s6 =	sadd.s32 $0x2, s6;
	s9 =	sand.u32 $0x7FFFF000, s9;
	s7 =	sand.u32 $0x380, s7  }
0x13b: {  	s12 =	sshll.u32 s6, $0x9;
	s6 =	sshll.u32 s6, $0x7;
	s7 =	sor.u32 s7, s9  }
0x13c: {  	s6 =	sand.u32 $0x380, s6;
	s9 =	sand.u32 $0x7FFFF000, s12;
	v0 =	vld [tilespmem:s7+$0x800]  }
0x13d: {  	s6 =	sor.u32 s6, s9  }
0x13e: {  	v1 =	vld [tilespmem:s6+$0x800];
	_ =	sdelay $0x2  }
0x13f: {  	v0 =	vmul.u32 $0x7, v0  }
0x140: {  	s12 =	sshll.u32 s21, $0x9  }
0x141: {  	s9 =	sand.u32 $0x3FFFFE00, s12;
	v0 =	vadd.s32 v1, v0  }
0x142: {  	[tilespmem:s9+$0x5100] =	vst v0  }
0x143: {  	v0 =	vld [tilespmem:s7+$0x810];
	_ =	sdelay $0x1  }
0x144: {  	v57 =	vld [tilespmem:s6+$0x810];
	_ =	sdelay $0x2  }
0x145: {  	v0 =	vmul.u32 $0x7, v0;
	_ =	sdelay $0x1  }
0x146: {  	v0 =	vadd.s32 v57, v0  }
0x147: {  	[tilespmem:s9+$0x5110] =	vst v0  }
0x148: {  	v0 =	vld [tilespmem:s7+$0x820];
	_ =	sdelay $0x1  }
0x149: {  	v58 =	vld [tilespmem:s6+$0x820];
	_ =	sdelay $0x2  }
0x14a: {  	v0 =	vmul.u32 $0x7, v0;
	_ =	sdelay $0x1  }
0x14b: {  	v0 =	vadd.s32 v58, v0  }
0x14c: {  	[tilespmem:s9+$0x5120] =	vst v0  }
0x14d: {  	v0 =	vld [tilespmem:s7+$0x830];
	_ =	sdelay $0x1  }
0x14e: {  	v59 =	vld [tilespmem:s6+$0x830];
	_ =	sdelay $0x2  }
0x14f: {  	v0 =	vmul.u32 $0x7, v0;
	_ =	sdelay $0x1  }
0x150: {  	v0 =	vadd.s32 v59, v0  }
0x151: {  	[tilespmem:s9+$0x5130] =	vst v0  }
0x152: {  	v0 =	vld [tilespmem:s7+$0x840];
	_ =	sdelay $0x1  }
0x153: {  	v60 =	vld [tilespmem:s6+$0x840];
	_ =	sdelay $0x2  }
0x154: {  	v0 =	vmul.u32 $0x7, v0;
	_ =	sdelay $0x1  }
0x155: {  	v0 =	vadd.s32 v60, v0  }
0x156: {  	[tilespmem:s9+$0x5140] =	vst v0  }
0x157: {  	v0 =	vld [tilespmem:s7+$0x850];
	_ =	sdelay $0x1  }
0x158: {  	v61 =	vld [tilespmem:s6+$0x850];
	_ =	sdelay $0x2  }
0x159: {  	v0 =	vmul.u32 $0x7, v0;
	_ =	sdelay $0x1  }
0x15a: {  	v0 =	vadd.s32 v61, v0  }
0x15b: {  	[tilespmem:s9+$0x5150] =	vst v0  }
0x15c: {  	v0 =	vld [tilespmem:s7+$0x860];
	_ =	sdelay $0x1  }
0x15d: {  	v62 =	vld [tilespmem:s6+$0x860];
	_ =	sdelay $0x2  }
0x15e: {  	v0 =	vmul.u32 $0x7, v0;
	_ =	sdelay $0x1  }
0x15f: {  	v0 =	vadd.s32 v62, v0  }
0x160: {  	[tilespmem:s9+$0x5160] =	vst v0  }
0x161: {  	v0 =	vld [tilespmem:s7+$0x870];
	_ =	sdelay $0x1  }
0x162: {  	v63 =	vld [tilespmem:s6+$0x870];
	_ =	sdelay $0x2  }
0x163: {  	v0 =	vmul.u32 $0x7, v0;
	_ =	sdelay $0x1  }
0x164: {  	v0 =	vadd.s32 v63, v0  }
.Ltmp7:
0x165: {  	[tilespmem:s9+$0x5170] =	vst v0;
	(pc) =	sbr.rel .LBB2_7-.Ltmp7, $4  }
0x166: {  	_ =	swait.ge [sflag:s15], $0x4000  }
0x167: {  	[sflag:s15] =	ssyncset.done $0x0  }
0x168: {  	s12 =	sadd.s32 $0x5100, s9;
	[sflag:s15] =	ssyncadd.s32 $0xFFFFC000  }
0x169: {  	[tilespmem:s24], [sflag:$0x3] =	stream.indirect.gather [spmem:s3], $0x80, s12, s18, $0xb8;
	[tilespmem:$0x16D88] =	vst v63  }
.LBB2_9:
0x16a: {  	_ =	sfence.sel $0x180000  }
0x16b: {  	[bflag:$0x0] =	sbarrier.arrive $0xFFFF  }
0x16c: {  	_ =	strace $0x90000047  }
0x16d: {  	s0 =	stileid.u32;
	[bflag:$0x2] =	sbarrier.arrive $0xFFFF  }
0x16e: {  	p0 =	sne.s32 s0, $0x0;
	s0 =	rddreg [dreg:$0x4]  }
0x16f: {  	s0 =	sadd.s32 @!p0 $0x100000, s0  }
0x170: {  	[sflag:s0] =	ssyncadd.tile.s32 @!p0 $0x1;
	_ =	shalt  }
.Lfunc_end2:
_tile_overlayer_lowered:
.L_overlay_start_2:
0x171: {  	(tag) =	ssettag $0x2  }
0x172: {  	s0 =	rddreg [dreg:$0x0];
	s2 =	stileid.u32  }
0x173: {  	s1 =	rddreg [dreg:$0x1];
	p0 =	sne.s32 s2, $0x0  }
0x174: {  	s3 =	rddreg [dreg:$0x2];
	[bflag:$0x3] =	sbarrier.arrive $0xFFFF;
	s2 =	simm.s32 @!p0 $0x1C0A  }
0x175: {  	[timem:s3], [sflag:s2] =	dma.local @!p0 [hbm:s0], s1  }
0x176: {  	s0 =	simm.s32 @!p0 $0xA  }
0x177: {  	_ =	swait.ge @!p0 [sflag:s0], s1  }
0x178: {  	s1 =	ssub.s32 @!p0 $0x0, s1;
	[sflag:s0] =	ssyncset.done @!p0 $0x0  }
0x179: {  	[sflag:s0] =	ssyncadd.s32 @!p0 s1  }
0x17a: {  	[bflag:$0x3] =	sbarrier.arrive $0xFFFF  }
0x17b: {  	_ =	shalt  }

</sc_bundles>
